<compile_context>
chip_gen: v7x
topology: tpu7x:2x2x1
jax: 0.10.2.dev20260603
libtpu: 0.0.44.dev20260713+nightly
codegen_flags: <defaults>
</compile_context>

<pallas_src>
import jax
import jax.numpy as jnp
from jax import lax
from jax.experimental import pallas as pl
from jax.experimental.pallas import tpu as pltpu
from jax.experimental.pallas import tpu_sc as plsc
import functools

N = 100_000
E = 6_400_000
LANE = 128
ROWS = E // LANE
NC, NS = 2, 16
NW = NC * NS
RPW = 1560
XTRA = (ROWS - RPW * NW) // 8
CH = 32
CHE = CH * LANE
NCHUNK = 49
N_PAD = 102_400
SLC = N_PAD // NS


def _sc_body(eidx_hbm, w_hbm, x_hbm, out_hbm,
             x_v, src_v0, dst_v0, w_v0, src_v1, dst_v1, w_v1, acc_sh,
             sem0, sem1, lsem0, lsem1):
    cid = lax.axis_index("c")
    sid = lax.axis_index("s")
    wid = sid * NC + cid

    def _zero(i, c):
        x_v[pl.ds(i * 16, 16)] = jnp.zeros((16,), jnp.float32)
        return c
    lax.fori_loop(0, SLC // 16, _zero, 0)
    off = sid * SLC
    pltpu.sync_copy(x_v.at[pl.ds(0, SLC)], acc_sh.at[pl.ds(off, SLC)])

    pltpu.sync_copy(x_hbm, x_v)
    plsc.subcore_barrier()

    my_rows = RPW + 8 * jnp.where(wid < XTRA, 1, 0)
    r0 = wid * RPW + 8 * jnp.minimum(wid, XTRA)

    def _gather_group(g, src_v, w_v):
        sls = [pl.ds(g * LANE + k * 16, 16) for k in range(LANE // 16)]
        idxs = [src_v[sl] for sl in sls]
        vals = [plsc.load_gather(x_v, [idx]) for idx in idxs]
        for sl, v in zip(sls, vals):
            w_v[sl] = w_v[sl] * v

    def _gather_fire(lo, src_v, dst_v, w_v, sem):
        def _grp(g, cc):
            _gather_group(g, src_v, w_v)
            return cc
        lax.fori_loop(lo, CH, _grp, 0)
        pltpu.async_copy(w_v, acc_sh.at[dst_v], sem, add=True)

    def _issue_loads(ebase, src_v, dst_v, w_v, lsem):
        pltpu.async_copy(eidx_hbm.at[0, pl.ds(ebase, CHE)], src_v, lsem)
        pltpu.async_copy(eidx_hbm.at[1, pl.ds(ebase, CHE)], dst_v, lsem)
        pltpu.async_copy(w_hbm.at[pl.ds(ebase, CHE)], w_v, lsem)

    def _wait_loads(src_v, dst_v, w_v, lsem):
        pltpu.make_async_copy(eidx_hbm.at[0, pl.ds(0, CHE)], src_v, lsem).wait()
        pltpu.make_async_copy(eidx_hbm.at[1, pl.ds(0, CHE)], dst_v, lsem).wait()
        pltpu.make_async_copy(w_hbm.at[pl.ds(0, CHE)], w_v, lsem).wait()

    def _drain(dst_v, w_v, sem):
        pltpu.make_async_copy(w_hbm.at[pl.ds(0, CHE)], w_v, sem).wait()

    set0 = (src_v0, dst_v0, w_v0)
    set1 = (src_v1, dst_v1, w_v1)

    _issue_loads(pl.multiple_of(r0 * LANE, 8), *set0, lsem0)

    def _pair(t, carry):
        _wait_loads(*set0, lsem0)
        _gather_fire(0, *set0, sem0)
        pl.when(t > 0)(lambda: _drain(dst_v1, w_v1, sem1))
        _issue_loads(pl.multiple_of((r0 + (2 * t + 1) * CH) * LANE, 8),
                     *set1, lsem1)
        _wait_loads(*set1, lsem1)
        _gather_fire(0, *set1, sem1)
        _drain(dst_v0, w_v0, sem0)
        nb = jnp.minimum(r0 + (2 * t + 2) * CH, r0 + my_rows - CH)
        _issue_loads(pl.multiple_of(nb * LANE, 8), *set0, lsem0)
        return carry
    lax.fori_loop(0, (NCHUNK - 1) // 2, _pair, 0)

    skip = NCHUNK * CH - my_rows
    _wait_loads(*set0, lsem0)

    def _ztail(i, cc):
        w_v0[pl.ds(i * 16, 16)] = jnp.zeros((16,), jnp.float32)
        return cc
    lax.fori_loop(0, skip * (LANE // 16), _ztail, 0)
    _gather_fire(skip, *set0, sem0)
    _drain(dst_v1, w_v1, sem1)
    _drain(dst_v0, w_v0, sem0)

    plsc.subcore_barrier()
    obase = pl.multiple_of(cid * N_PAD + off, 8)
    pltpu.sync_copy(acc_sh.at[pl.ds(off, SLC)], out_hbm.at[pl.ds(obase, SLC)])


@functools.partial(jax.jit, static_argnames=())
def _sc_edges(eidx, w, x):
    mesh = plsc.VectorSubcoreMesh(core_axis_name="c", subcore_axis_name="s",
                                  num_cores=NC, num_subcores=NS)
    return pl.kernel(
        _sc_body,
        out_type=jax.ShapeDtypeStruct((NC * N_PAD,), jnp.float32),
        mesh=mesh,
        compiler_params=pltpu.CompilerParams(needs_layout_passes=False),
        scratch_types=[
            pltpu.VMEM((N,), jnp.float32),
            pltpu.VMEM((CHE,), jnp.int32),
            pltpu.VMEM((CHE,), jnp.int32),
            pltpu.VMEM((CHE,), jnp.float32),
            pltpu.VMEM((CHE,), jnp.int32),
            pltpu.VMEM((CHE,), jnp.int32),
            pltpu.VMEM((CHE,), jnp.float32),
            pltpu.VMEM_SHARED((N_PAD,), jnp.float32),
            pltpu.SemaphoreType.DMA,
            pltpu.SemaphoreType.DMA,
            pltpu.SemaphoreType.DMA,
            pltpu.SemaphoreType.DMA,
        ],
    )(eidx, w, x)


def _tc_body(x_ref, p_ref, o_ref):
    o_ref[...] = jnp.tanh(x_ref[...] + p_ref[pl.ds(0, N)]
                          + p_ref[pl.ds(N_PAD, N)])


def _tc_combine(x, p):
    return pl.pallas_call(
        _tc_body,
        out_shape=jax.ShapeDtypeStruct((N,), jnp.float32),
    )(x, p)


def kernel(region_inputs_flat, edge_index, edge_weight):
    x = region_inputs_flat
    partial = _sc_edges(edge_index.astype(jnp.int32), edge_weight, x)
    return _tc_combine(x, partial)

# --- scband reference (transcript-rebuilt; emitter-appended) ---
"""Pipeline reference for scband-brain-network-13288628814596 (READ-ONLY COPY).

The authoritative reference and input builder live on the scoring server;
editing this copy changes nothing except your own understanding.
"""

import jax, jax.numpy as jnp
import numpy as np

N_NEURONS = 100000
N_EDGES = 6400000


def setup_inputs(seed: int = 0) -> dict:
    key = jax.random.key(seed)
    k1, k2, k3 = jax.random.split(key, 3)
    # External observation injected into neurons (concatenation of all region
    # observation vectors; regions without observations receive zeros, here we
    # just draw a full random vector).
    region_inputs_flat = jax.random.normal(k1, (N_NEURONS,), dtype=jnp.float32)
    # All inter-region edges flattened: row 0 = src neuron global id,
    # row 1 = dst neuron global id.
    edge_index = jax.random.randint(k2, (2, N_EDGES), 0, N_NEURONS, dtype=jnp.int64)
    # Learnable scalar pathway weights, one per inter-region edge
    # (nn.Parameter per edge in the original; init small nonzero so gradients flow).
    edge_weight = jax.random.normal(k3, (N_EDGES,), dtype=jnp.float32) * 0.01
    return {
        "region_inputs_flat": region_inputs_flat,
        "edge_index": edge_index,
        "edge_weight": edge_weight,
    }


def reference(region_inputs_flat, edge_index, edge_weight):
    # One timestep of the brain network, with all regions flattened into a
    # single global neuron state vector.
    # 1. For every inter-region edge, read the source neuron's current
    #    activation (delay handled as current-step activation), scale by the
    #    learnable scalar edge weight.
    src = edge_index[0]
    dst = edge_index[1]
    msgs = edge_weight * jnp.take(region_inputs_flat, src, axis=0)  # gather
    # 2. Pre-inject: scatter-add all incoming pathway currents onto the
    #    destination neurons.
    injected = jnp.zeros((N_NEURONS,), dtype=jnp.float32).at[dst].add(msgs)
    # 3. Each region's NeuronGraph consumes (external observation + injected
    #    pathway current) and produces new activations via its nonlinearity.
    h = jnp.tanh(region_inputs_flat + injected)
    # 4. Output = concatenated activations of all output regions
    #    (output_regions=None -> all regions -> full state vector).
    return h

if __name__ == "__main__":
    import jax
    _d = setup_inputs()
    print(jax.jit(kernel)(*tuple(_d.values())))

</pallas_src>

<mosaic_0001>
#map = affine_map<(d0, d1) -> (0, 0)>
#map1 = affine_map<(d0, d1) -> (0)>
module attributes {stable_mosaic.version = 14 : i64} {
  func.func @_sc_body(%arg0: i32, %arg1: i32, %arg2: memref<2x6400000xi32, #tpu.memory_space<hbm>>, %arg3: memref<6400000xf32, #tpu.memory_space<hbm>>, %arg4: memref<100000xf32, #tpu.memory_space<hbm>>, %arg5: memref<204800xf32, #tpu.memory_space<hbm>>, %arg6: memref<100000xf32, #tpu.memory_space<vmem>>, %arg7: memref<4096xi32, #tpu.memory_space<vmem>>, %arg8: memref<4096xi32, #tpu.memory_space<vmem>>, %arg9: memref<4096xf32, #tpu.memory_space<vmem>>, %arg10: memref<4096xi32, #tpu.memory_space<vmem>>, %arg11: memref<4096xi32, #tpu.memory_space<vmem>>, %arg12: memref<4096xf32, #tpu.memory_space<vmem>>, %arg13: memref<102400xf32, #tpu.memory_space<vmem_shared>>, %arg14: memref<!tpu.dma_semaphore, #tpu.memory_space<semaphore_mem>>, %arg15: memref<!tpu.dma_semaphore, #tpu.memory_space<semaphore_mem>>, %arg16: memref<!tpu.dma_semaphore, #tpu.memory_space<semaphore_mem>>, %arg17: memref<!tpu.dma_semaphore, #tpu.memory_space<semaphore_mem>>) attributes {dimension_semantics = [#tpu.dimension_semantics<core_parallel>, #tpu.dimension_semantics<subcore_parallel>], iteration_bounds = array<i64: 2, 16>, scalar_prefetch = 0 : i64, scratch_operands = 12 : i64, tpu.core_type = #tpu.core_type<sc_vector_subcore>, window_params = [{transform_indices = #map}, {transform_indices = #map1}, {transform_indices = #map1}, {transform_indices = #map1}]} {
    %mul3A = arith.constant 2 : i32
    %mul3A_0 = arith.muli %arg1, %mul3A : i32
    %add3A = arith.addi %mul3A_0, %arg0 : i32
    %scan3A = arith.constant 0 : i32
    %scan3A_1 = arith.constant 0 : i32
    %scan3A_2 = arith.constant 400 : i32
    %scan3A_3 = arith.addi %scan3A_1, %scan3A_2 : i32
    %scan3A_4 = arith.constant 1 : i32
    scf.for %scan3A_93 = %scan3A_1 to %scan3A_3 step %scan3A_4  : i32 {
      %broadcast_in_dim3A = arith.constant 0.000000e+00 : f32
      %broadcast_in_dim3A_94 = vector.broadcast %broadcast_in_dim3A : f32 to vector<16xf32>
      %mul3A_95 = arith.constant 16 : i32
      %mul3A_96 = arith.muli %scan3A_93, %mul3A_95 : i32
      %swap3A = arith.index_cast %mul3A_96 : i32 to index
      %swap3A_97 = tpu.vector_load %arg6[%swap3A] {strides = array<i32>} : memref<100000xf32, #tpu.memory_space<vmem>>, vector<16xf32>,
      tpu.vector_store %arg6[%swap3A], %broadcast_in_dim3A_94 {strides = array<i32>} : memref<100000xf32, #tpu.memory_space<vmem>>, vector<16xf32>,
    }
    %scan3A_5 = arith.constant 400 : i32
    %mul3A_6 = arith.constant 6400 : i32
    %mul3A_7 = arith.muli %arg1, %mul3A_6 : i32
    "tpu.region"() ({
      %run_scoped3A = tpu.sem_alloc : memref<!tpu.dma_semaphore, #tpu.memory_space<semaphore_mem>>
      %dma_start3A_93 = arith.constant 0 : i32
      %dma_start3A_94 = tpu.memref_slice %arg6[%dma_start3A_93] : memref<100000xf32, #tpu.memory_space<vmem>> -> memref<6400xf32, #tpu.memory_space<vmem>>
      %dma_start3A_95 = tpu.memref_slice %arg13[%mul3A_7] : memref<102400xf32, #tpu.memory_space<vmem_shared>> -> memref<6400xf32, #tpu.memory_space<vmem_shared>>
      %dma_start3A_96 = tpu.memref_slice %arg13[%mul3A_7] : memref<102400xf32, #tpu.memory_space<vmem_shared>> -> memref<6400xf32, #tpu.memory_space<vmem_shared>>
      %dma_start3A_97 = arith.constant 0 : i32
      %dma_start3A_98 = tpu.memref_slice %arg6[%dma_start3A_97] : memref<100000xf32, #tpu.memory_space<vmem>> -> memref<6400xf32, #tpu.memory_space<vmem>>
      tpu.enqueue_dma source(%dma_start3A_98 : memref<6400xf32, #tpu.memory_space<vmem>>) target(%dma_start3A_96 : memref<6400xf32, #tpu.memory_space<vmem_shared>>) target_semaphore(%run_scoped3A : memref<!tpu.dma_semaphore, #tpu.memory_space<semaphore_mem>>)
      %dma_wait3A_99 = arith.constant 0 : i32
      %dma_wait3A_100 = tpu.memref_slice %arg6[%dma_wait3A_99] : memref<100000xf32, #tpu.memory_space<vmem>> -> memref<6400xf32, #tpu.memory_space<vmem>>
      %dma_wait3A_101 = tpu.memref_slice %arg13[%mul3A_7] : memref<102400xf32, #tpu.memory_space<vmem_shared>> -> memref<6400xf32, #tpu.memory_space<vmem_shared>>
      %dma_wait3A_102 = tpu.memref_slice %arg13[%mul3A_7] : memref<102400xf32, #tpu.memory_space<vmem_shared>> -> memref<6400xf32, #tpu.memory_space<vmem_shared>>
      %dma_wait3A_103 = arith.constant 0 : i32
      %dma_wait3A_104 = tpu.memref_slice %arg6[%dma_wait3A_103] : memref<100000xf32, #tpu.memory_space<vmem>> -> memref<6400xf32, #tpu.memory_space<vmem>>
      tpu.wait_dma2 semaphore(%run_scoped3A : memref<!tpu.dma_semaphore, #tpu.memory_space<semaphore_mem>>) src(%dma_wait3A_104 : memref<6400xf32, #tpu.memory_space<vmem>>) dst(%dma_wait3A_102 : memref<6400xf32, #tpu.memory_space<vmem_shared>>)
      tpu.yield
    }) : () -> ()
    "tpu.region"() ({
      %run_scoped3A = tpu.sem_alloc : memref<!tpu.dma_semaphore, #tpu.memory_space<semaphore_mem>>
      tpu.enqueue_dma source(%arg4 : memref<100000xf32, #tpu.memory_space<hbm>>) target(%arg6 : memref<100000xf32, #tpu.memory_space<vmem>>) target_semaphore(%run_scoped3A : memref<!tpu.dma_semaphore, #tpu.memory_space<semaphore_mem>>)
      tpu.wait_dma2 semaphore(%run_scoped3A : memref<!tpu.dma_semaphore, #tpu.memory_space<semaphore_mem>>) src(%arg4 : memref<100000xf32, #tpu.memory_space<hbm>>) dst(%arg6 : memref<100000xf32, #tpu.memory_space<vmem>>)
      tpu.yield
    }) : () -> ()
    %barrier3A = arith.constant 0 : index
    tpu.barrier barrier_id(%barrier3A)
    %lt3A = arith.constant 10 : i32
    %lt3A_8 = arith.cmpi slt, %add3A, %lt3A : i32
    %jit3A = arith.constant 1 : i32
    %jit3A_9 = arith.constant 0 : i32
    %select_n3A = arith.select %lt3A_8, %jit3A, %jit3A_9 : i32
    %mul3A_10 = arith.constant 8 : i32
    %mul3A_11 = arith.muli %mul3A_10, %select_n3A : i32
    %add3A_12 = arith.constant 1560 : i32
    %add3A_13 = arith.addi %add3A_12, %mul3A_11 : i32
    %mul3A_14 = arith.constant 1560 : i32
    %mul3A_15 = arith.muli %add3A, %mul3A_14 : i32
    %min3A = arith.constant 10 : i32
    %min3A_16 = arith.minsi %add3A, %min3A : i32
    %mul3A_17 = arith.constant 8 : i32
    %mul3A_18 = arith.muli %mul3A_17, %min3A_16 : i32
    %add3A_19 = arith.addi %mul3A_15, %mul3A_18 : i32
    %mul3A_20 = arith.constant 128 : i32
    %mul3A_21 = arith.muli %add3A_19, %mul3A_20 : i32
    %multiple_of3A = tpu.assume_multiple %mul3A_21, 8 : i32
    %dma_start3A = arith.constant 0 : i32
    %dma_start3A_22 = tpu.memref_slice %arg2[%dma_start3A, %multiple_of3A] : memref<2x6400000xi32, #tpu.memory_space<hbm>> -> memref<1x4096xi32, #tpu.memory_space<hbm>>
    %dma_start3A_23 = tpu.memref_squeeze %dma_start3A_22 : memref<1x4096xi32, #tpu.memory_space<hbm>> -> memref<4096xi32, #tpu.memory_space<hbm>>
    %dma_start3A_24 = tpu.memref_slice %arg2[%dma_start3A, %multiple_of3A] : memref<2x6400000xi32, #tpu.memory_space<hbm>> -> memref<1x4096xi32, #tpu.memory_space<hbm>>
    %dma_start3A_25 = tpu.memref_squeeze %dma_start3A_24 : memref<1x4096xi32, #tpu.memory_space<hbm>> -> memref<4096xi32, #tpu.memory_space<hbm>>
    tpu.enqueue_dma source(%dma_start3A_25 : memref<4096xi32, #tpu.memory_space<hbm>>) target(%arg7 : memref<4096xi32, #tpu.memory_space<vmem>>) target_semaphore(%arg16 : memref<!tpu.dma_semaphore, #tpu.memory_space<semaphore_mem>>)
    %dma_start3A_26 = arith.constant 1 : i32
    %dma_start3A_27 = tpu.memref_slice %arg2[%dma_start3A_26, %multiple_of3A] : memref<2x6400000xi32, #tpu.memory_space<hbm>> -> memref<1x4096xi32, #tpu.memory_space<hbm>>
    %dma_start3A_28 = tpu.memref_squeeze %dma_start3A_27 : memref<1x4096xi32, #tpu.memory_space<hbm>> -> memref<4096xi32, #tpu.memory_space<hbm>>
    %dma_start3A_29 = tpu.memref_slice %arg2[%dma_start3A_26, %multiple_of3A] : memref<2x6400000xi32, #tpu.memory_space<hbm>> -> memref<1x4096xi32, #tpu.memory_space<hbm>>
    %dma_start3A_30 = tpu.memref_squeeze %dma_start3A_29 : memref<1x4096xi32, #tpu.memory_space<hbm>> -> memref<4096xi32, #tpu.memory_space<hbm>>
    tpu.enqueue_dma source(%dma_start3A_30 : memref<4096xi32, #tpu.memory_space<hbm>>) target(%arg8 : memref<4096xi32, #tpu.memory_space<vmem>>) target_semaphore(%arg16 : memref<!tpu.dma_semaphore, #tpu.memory_space<semaphore_mem>>)
    %dma_start3A_31 = tpu.memref_slice %arg3[%multiple_of3A] : memref<6400000xf32, #tpu.memory_space<hbm>> -> memref<4096xf32, #tpu.memory_space<hbm>>
    %dma_start3A_32 = tpu.memref_slice %arg3[%multiple_of3A] : memref<6400000xf32, #tpu.memory_space<hbm>> -> memref<4096xf32, #tpu.memory_space<hbm>>
    tpu.enqueue_dma source(%dma_start3A_32 : memref<4096xf32, #tpu.memory_space<hbm>>) target(%arg9 : memref<4096xf32, #tpu.memory_space<vmem>>) target_semaphore(%arg16 : memref<!tpu.dma_semaphore, #tpu.memory_space<semaphore_mem>>)
    %scan3A_33 = arith.constant 0 : i32
    %scan3A_34 = arith.constant 0 : i32
    %scan3A_35 = arith.constant 24 : i32
    %scan3A_36 = arith.addi %scan3A_34, %scan3A_35 : i32
    %scan3A_37 = arith.constant 1 : i32
    scf.for %scan3A_93 = %scan3A_34 to %scan3A_36 step %scan3A_37  : i32 {
      %dma_wait3A_94 = arith.constant 0 : i32
      %dma_wait3A_95 = arith.constant 0 : i32
      %dma_wait3A_96 = tpu.memref_slice %arg2[%dma_wait3A_94, %dma_wait3A_95] : memref<2x6400000xi32, #tpu.memory_space<hbm>> -> memref<1x4096xi32, #tpu.memory_space<hbm>>
      %dma_wait3A_97 = tpu.memref_squeeze %dma_wait3A_96 : memref<1x4096xi32, #tpu.memory_space<hbm>> -> memref<4096xi32, #tpu.memory_space<hbm>>
      %dma_wait3A_98 = arith.constant 0 : i32
      %dma_wait3A_99 = tpu.memref_slice %arg2[%dma_wait3A_94, %dma_wait3A_98] : memref<2x6400000xi32, #tpu.memory_space<hbm>> -> memref<1x4096xi32, #tpu.memory_space<hbm>>
      %dma_wait3A_100 = tpu.memref_squeeze %dma_wait3A_99 : memref<1x4096xi32, #tpu.memory_space<hbm>> -> memref<4096xi32, #tpu.memory_space<hbm>>
      tpu.wait_dma2 semaphore(%arg16 : memref<!tpu.dma_semaphore, #tpu.memory_space<semaphore_mem>>) src(%dma_wait3A_100 : memref<4096xi32, #tpu.memory_space<hbm>>) dst(%arg7 : memref<4096xi32, #tpu.memory_space<vmem>>)
      %dma_wait3A_101 = arith.constant 1 : i32
      %dma_wait3A_102 = arith.constant 0 : i32
      %dma_wait3A_103 = tpu.memref_slice %arg2[%dma_wait3A_101, %dma_wait3A_102] : memref<2x6400000xi32, #tpu.memory_space<hbm>> -> memref<1x4096xi32, #tpu.memory_space<hbm>>
      %dma_wait3A_104 = tpu.memref_squeeze %dma_wait3A_103 : memref<1x4096xi32, #tpu.memory_space<hbm>> -> memref<4096xi32, #tpu.memory_space<hbm>>
      %dma_wait3A_105 = arith.constant 0 : i32
      %dma_wait3A_106 = tpu.memref_slice %arg2[%dma_wait3A_101, %dma_wait3A_105] : memref<2x6400000xi32, #tpu.memory_space<hbm>> -> memref<1x4096xi32, #tpu.memory_space<hbm>>
      %dma_wait3A_107 = tpu.memref_squeeze %dma_wait3A_106 : memref<1x4096xi32, #tpu.memory_space<hbm>> -> memref<4096xi32, #tpu.memory_space<hbm>>
      tpu.wait_dma2 semaphore(%arg16 : memref<!tpu.dma_semaphore, #tpu.memory_space<semaphore_mem>>) src(%dma_wait3A_107 : memref<4096xi32, #tpu.memory_space<hbm>>) dst(%arg8 : memref<4096xi32, #tpu.memory_space<vmem>>)
      %dma_wait3A_108 = arith.constant 0 : i32
      %dma_wait3A_109 = tpu.memref_slice %arg3[%dma_wait3A_108] : memref<6400000xf32, #tpu.memory_space<hbm>> -> memref<4096xf32, #tpu.memory_space<hbm>>
      %dma_wait3A_110 = arith.constant 0 : i32
      %dma_wait3A_111 = tpu.memref_slice %arg3[%dma_wait3A_110] : memref<6400000xf32, #tpu.memory_space<hbm>> -> memref<4096xf32, #tpu.memory_space<hbm>>
      tpu.wait_dma2 semaphore(%arg16 : memref<!tpu.dma_semaphore, #tpu.memory_space<semaphore_mem>>) src(%dma_wait3A_111 : memref<4096xf32, #tpu.memory_space<hbm>>) dst(%arg9 : memref<4096xf32, #tpu.memory_space<vmem>>)
      %scan3A_112 = arith.constant 0 : i32
      %scan3A_113 = arith.constant 0 : i32
      %scan3A_114 = arith.constant 32 : i32
      %scan3A_115 = arith.addi %scan3A_113, %scan3A_114 : i32
      %scan3A_116 = arith.constant 1 : i32
      scf.for %scan3A_200 = %scan3A_113 to %scan3A_115 step %scan3A_116  : i32 {
        %mul3A_201 = arith.constant 128 : i32
        %mul3A_202 = arith.muli %scan3A_200, %mul3A_201 : i32
        %add3A_203 = arith.constant 0 : i32
        %add3A_204 = arith.addi %mul3A_202, %add3A_203 : i32
        %mul3A_205 = arith.constant 128 : i32
        %mul3A_206 = arith.muli %scan3A_200, %mul3A_205 : i32
        %add3A_207 = arith.constant 16 : i32
        %add3A_208 = arith.addi %mul3A_206, %add3A_207 : i32
        %mul3A_209 = arith.constant 128 : i32
        %mul3A_210 = arith.muli %scan3A_200, %mul3A_209 : i32
        %add3A_211 = arith.constant 32 : i32
        %add3A_212 = arith.addi %mul3A_210, %add3A_211 : i32
        %mul3A_213 = arith.constant 128 : i32
        %mul3A_214 = arith.muli %scan3A_200, %mul3A_213 : i32
        %add3A_215 = arith.constant 48 : i32
        %add3A_216 = arith.addi %mul3A_214, %add3A_215 : i32
        %mul3A_217 = arith.constant 128 : i32
        %mul3A_218 = arith.muli %scan3A_200, %mul3A_217 : i32
        %add3A_219 = arith.constant 64 : i32
        %add3A_220 = arith.addi %mul3A_218, %add3A_219 : i32
        %mul3A_221 = arith.constant 128 : i32
        %mul3A_222 = arith.muli %scan3A_200, %mul3A_221 : i32
        %add3A_223 = arith.constant 80 : i32
        %add3A_224 = arith.addi %mul3A_222, %add3A_223 : i32
        %mul3A_225 = arith.constant 128 : i32
        %mul3A_226 = arith.muli %scan3A_200, %mul3A_225 : i32
        %add3A_227 = arith.constant 96 : i32
        %add3A_228 = arith.addi %mul3A_226, %add3A_227 : i32
        %mul3A_229 = arith.constant 128 : i32
        %mul3A_230 = arith.muli %scan3A_200, %mul3A_229 : i32
        %add3A_231 = arith.constant 112 : i32
        %add3A_232 = arith.addi %mul3A_230, %add3A_231 : i32
        %get3A = arith.index_cast %add3A_204 : i32 to index
        %get3A_233 = tpu.vector_load %arg7[%get3A] {strides = array<i32>} : memref<4096xi32, #tpu.memory_space<vmem>>, vector<16xi32>,
        %get3A_234 = arith.index_cast %add3A_208 : i32 to index
        %get3A_235 = tpu.vector_load %arg7[%get3A_234] {strides = array<i32>} : memref<4096xi32, #tpu.memory_space<vmem>>, vector<16xi32>,
        %get3A_236 = arith.index_cast %add3A_212 : i32 to index
        %get3A_237 = tpu.vector_load %arg7[%get3A_236] {strides = array<i32>} : memref<4096xi32, #tpu.memory_space<vmem>>, vector<16xi32>,
        %get3A_238 = arith.index_cast %add3A_216 : i32 to index
        %get3A_239 = tpu.vector_load %arg7[%get3A_238] {strides = array<i32>} : memref<4096xi32, #tpu.memory_space<vmem>>, vector<16xi32>,
        %get3A_240 = arith.index_cast %add3A_220 : i32 to index
        %get3A_241 = tpu.vector_load %arg7[%get3A_240] {strides = array<i32>} : memref<4096xi32, #tpu.memory_space<vmem>>, vector<16xi32>,
        %get3A_242 = arith.index_cast %add3A_224 : i32 to index
        %get3A_243 = tpu.vector_load %arg7[%get3A_242] {strides = array<i32>} : memref<4096xi32, #tpu.memory_space<vmem>>, vector<16xi32>,
        %get3A_244 = arith.index_cast %add3A_228 : i32 to index
        %get3A_245 = tpu.vector_load %arg7[%get3A_244] {strides = array<i32>} : memref<4096xi32, #tpu.memory_space<vmem>>, vector<16xi32>,
        %get3A_246 = arith.index_cast %add3A_232 : i32 to index
        %get3A_247 = tpu.vector_load %arg7[%get3A_246] {strides = array<i32>} : memref<4096xi32, #tpu.memory_space<vmem>>, vector<16xi32>,
        %gather3A = tpu.vector_load_idx %arg6[%get3A_233] : memref<100000xf32, #tpu.memory_space<vmem>>[vector<16xi32>], vector<16xf32>,
        %gather3A_248 = tpu.vector_load_idx %arg6[%get3A_235] : memref<100000xf32, #tpu.memory_space<vmem>>[vector<16xi32>], vector<16xf32>,
        %gather3A_249 = tpu.vector_load_idx %arg6[%get3A_237] : memref<100000xf32, #tpu.memory_space<vmem>>[vector<16xi32>], vector<16xf32>,
        %gather3A_250 = tpu.vector_load_idx %arg6[%get3A_239] : memref<100000xf32, #tpu.memory_space<vmem>>[vector<16xi32>], vector<16xf32>,
        %gather3A_251 = tpu.vector_load_idx %arg6[%get3A_241] : memref<100000xf32, #tpu.memory_space<vmem>>[vector<16xi32>], vector<16xf32>,
        %gather3A_252 = tpu.vector_load_idx %arg6[%get3A_243] : memref<100000xf32, #tpu.memory_space<vmem>>[vector<16xi32>], vector<16xf32>,
        %gather3A_253 = tpu.vector_load_idx %arg6[%get3A_245] : memref<100000xf32, #tpu.memory_space<vmem>>[vector<16xi32>], vector<16xf32>,
        %gather3A_254 = tpu.vector_load_idx %arg6[%get3A_247] : memref<100000xf32, #tpu.memory_space<vmem>>[vector<16xi32>], vector<16xf32>,
        %get3A_255 = arith.index_cast %add3A_204 : i32 to index
        %get3A_256 = tpu.vector_load %arg9[%get3A_255] {strides = array<i32>} : memref<4096xf32, #tpu.memory_space<vmem>>, vector<16xf32>,
        %mul3A_257 = arith.mulf %get3A_256, %gather3A : vector<16xf32>
        %swap3A = arith.index_cast %add3A_204 : i32 to index
        %swap3A_258 = tpu.vector_load %arg9[%swap3A] {strides = array<i32>} : memref<4096xf32, #tpu.memory_space<vmem>>, vector<16xf32>,
        tpu.vector_store %arg9[%swap3A], %mul3A_257 {strides = array<i32>} : memref<4096xf32, #tpu.memory_space<vmem>>, vector<16xf32>,
        %get3A_259 = arith.index_cast %add3A_208 : i32 to index
        %get3A_260 = tpu.vector_load %arg9[%get3A_259] {strides = array<i32>} : memref<4096xf32, #tpu.memory_space<vmem>>, vector<16xf32>,
        %mul3A_261 = arith.mulf %get3A_260, %gather3A_248 : vector<16xf32>
        %swap3A_262 = arith.index_cast %add3A_208 : i32 to index
        %swap3A_263 = tpu.vector_load %arg9[%swap3A_262] {strides = array<i32>} : memref<4096xf32, #tpu.memory_space<vmem>>, vector<16xf32>,
        tpu.vector_store %arg9[%swap3A_262], %mul3A_261 {strides = array<i32>} : memref<4096xf32, #tpu.memory_space<vmem>>, vector<16xf32>,
        %get3A_264 = arith.index_cast %add3A_212 : i32 to index
        %get3A_265 = tpu.vector_load %arg9[%get3A_264] {strides = array<i32>} : memref<4096xf32, #tpu.memory_space<vmem>>, vector<16xf32>,
        %mul3A_266 = arith.mulf %get3A_265, %gather3A_249 : vector<16xf32>
        %swap3A_267 = arith.index_cast %add3A_212 : i32 to index
        %swap3A_268 = tpu.vector_load %arg9[%swap3A_267] {strides = array<i32>} : memref<4096xf32, #tpu.memory_space<vmem>>, vector<16xf32>,
        tpu.vector_store %arg9[%swap3A_267], %mul3A_266 {strides = array<i32>} : memref<4096xf32, #tpu.memory_space<vmem>>, vector<16xf32>,
        %get3A_269 = arith.index_cast %add3A_216 : i32 to index
        %get3A_270 = tpu.vector_load %arg9[%get3A_269] {strides = array<i32>} : memref<4096xf32, #tpu.memory_space<vmem>>, vector<16xf32>,
        %mul3A_271 = arith.mulf %get3A_270, %gather3A_250 : vector<16xf32>
        %swap3A_272 = arith.index_cast %add3A_216 : i32 to index
        %swap3A_273 = tpu.vector_load %arg9[%swap3A_272] {strides = array<i32>} : memref<4096xf32, #tpu.memory_space<vmem>>, vector<16xf32>,
        tpu.vector_store %arg9[%swap3A_272], %mul3A_271 {strides = array<i32>} : memref<4096xf32, #tpu.memory_space<vmem>>, vector<16xf32>,
        %get3A_274 = arith.index_cast %add3A_220 : i32 to index
        %get3A_275 = tpu.vector_load %arg9[%get3A_274] {strides = array<i32>} : memref<4096xf32, #tpu.memory_space<vmem>>, vector<16xf32>,
        %mul3A_276 = arith.mulf %get3A_275, %gather3A_251 : vector<16xf32>
        %swap3A_277 = arith.index_cast %add3A_220 : i32 to index
        %swap3A_278 = tpu.vector_load %arg9[%swap3A_277] {strides = array<i32>} : memref<4096xf32, #tpu.memory_space<vmem>>, vector<16xf32>,
        tpu.vector_store %arg9[%swap3A_277], %mul3A_276 {strides = array<i32>} : memref<4096xf32, #tpu.memory_space<vmem>>, vector<16xf32>,
        %get3A_279 = arith.index_cast %add3A_224 : i32 to index
        %get3A_280 = tpu.vector_load %arg9[%get3A_279] {strides = array<i32>} : memref<4096xf32, #tpu.memory_space<vmem>>, vector<16xf32>,
        %mul3A_281 = arith.mulf %get3A_280, %gather3A_252 : vector<16xf32>
        %swap3A_282 = arith.index_cast %add3A_224 : i32 to index
        %swap3A_283 = tpu.vector_load %arg9[%swap3A_282] {strides = array<i32>} : memref<4096xf32, #tpu.memory_space<vmem>>, vector<16xf32>,
        tpu.vector_store %arg9[%swap3A_282], %mul3A_281 {strides = array<i32>} : memref<4096xf32, #tpu.memory_space<vmem>>, vector<16xf32>,
        %get3A_284 = arith.index_cast %add3A_228 : i32 to index
        %get3A_285 = tpu.vector_load %arg9[%get3A_284] {strides = array<i32>} : memref<4096xf32, #tpu.memory_space<vmem>>, vector<16xf32>,
        %mul3A_286 = arith.mulf %get3A_285, %gather3A_253 : vector<16xf32>
        %swap3A_287 = arith.index_cast %add3A_228 : i32 to index
        %swap3A_288 = tpu.vector_load %arg9[%swap3A_287] {strides = array<i32>} : memref<4096xf32, #tpu.memory_space<vmem>>, vector<16xf32>,
        tpu.vector_store %arg9[%swap3A_287], %mul3A_286 {strides = array<i32>} : memref<4096xf32, #tpu.memory_space<vmem>>, vector<16xf32>,
        %get3A_289 = arith.index_cast %add3A_232 : i32 to index
        %get3A_290 = tpu.vector_load %arg9[%get3A_289] {strides = array<i32>} : memref<4096xf32, #tpu.memory_space<vmem>>, vector<16xf32>,
        %mul3A_291 = arith.mulf %get3A_290, %gather3A_254 : vector<16xf32>
        %swap3A_292 = arith.index_cast %add3A_232 : i32 to index
        %swap3A_293 = tpu.vector_load %arg9[%swap3A_292] {strides = array<i32>} : memref<4096xf32, #tpu.memory_space<vmem>>, vector<16xf32>,
        tpu.vector_store %arg9[%swap3A_292], %mul3A_291 {strides = array<i32>} : memref<4096xf32, #tpu.memory_space<vmem>>, vector<16xf32>,
      }
      %scan3A_117 = arith.constant 32 : i32
      %dma_start3A_118 = arith.constant 0 : i32
      %dma_start3A_119 = tpu.memref_slice %arg13[%dma_start3A_118] : memref<102400xf32, #tpu.memory_space<vmem_shared>> -> memref<102400xf32, #tpu.memory_space<vmem_shared>>
      tpu.enqueue_indirect_dma source(%arg9 : memref<4096xf32, #tpu.memory_space<vmem>>) target(%dma_start3A_119 : memref<102400xf32, #tpu.memory_space<vmem_shared>>) offsets(%arg8 : memref<4096xi32, #tpu.memory_space<vmem>>) semaphore(%arg14 : memref<!tpu.dma_semaphore, #tpu.memory_space<semaphore_mem>>) {add = true}
      %gt3A = arith.constant 0 : i32
      %gt3A_120 = arith.cmpi sgt, %scan3A_93, %gt3A : i32
      %convert_element_type3A = arith.extui %gt3A_120 : i1 to i32
      %cond3A = arith.constant 0 : i32
      %cond3A_121 = arith.cmpi ne, %convert_element_type3A, %cond3A : i32
      scf.if %cond3A_121 {
        %dma_wait3A_200 = arith.constant 0 : i32
        %dma_wait3A_201 = tpu.memref_slice %arg3[%dma_wait3A_200] : memref<6400000xf32, #tpu.memory_space<hbm>> -> memref<4096xf32, #tpu.memory_space<hbm>>
        %dma_wait3A_202 = arith.constant 0 : i32
        %dma_wait3A_203 = tpu.memref_slice %arg3[%dma_wait3A_202] : memref<6400000xf32, #tpu.memory_space<hbm>> -> memref<4096xf32, #tpu.memory_space<hbm>>
        tpu.wait_dma2 semaphore(%arg15 : memref<!tpu.dma_semaphore, #tpu.memory_space<semaphore_mem>>) src(%dma_wait3A_203 : memref<4096xf32, #tpu.memory_space<hbm>>) dst(%arg12 : memref<4096xf32, #tpu.memory_space<vmem>>)
      } else {
      }
      %mul3A_122 = arith.constant 2 : i32
      %mul3A_123 = arith.muli %mul3A_122, %scan3A_93 : i32
      %add3A_124 = arith.constant 1 : i32
      %add3A_125 = arith.addi %mul3A_123, %add3A_124 : i32
      %mul3A_126 = arith.constant 32 : i32
      %mul3A_127 = arith.muli %add3A_125, %mul3A_126 : i32
      %add3A_128 = arith.addi %add3A_19, %mul3A_127 : i32
      %mul3A_129 = arith.constant 128 : i32
      %mul3A_130 = arith.muli %add3A_128, %mul3A_129 : i32
      %multiple_of3A_131 = tpu.assume_multiple %mul3A_130, 8 : i32
      %dma_start3A_132 = arith.constant 0 : i32
      %dma_start3A_133 = tpu.memref_slice %arg2[%dma_start3A_132, %multiple_of3A_131] : memref<2x6400000xi32, #tpu.memory_space<hbm>> -> memref<1x4096xi32, #tpu.memory_space<hbm>>
      %dma_start3A_134 = tpu.memref_squeeze %dma_start3A_133 : memref<1x4096xi32, #tpu.memory_space<hbm>> -> memref<4096xi32, #tpu.memory_space<hbm>>
      %dma_start3A_135 = tpu.memref_slice %arg2[%dma_start3A_132, %multiple_of3A_131] : memref<2x6400000xi32, #tpu.memory_space<hbm>> -> memref<1x4096xi32, #tpu.memory_space<hbm>>
      %dma_start3A_136 = tpu.memref_squeeze %dma_start3A_135 : memref<1x4096xi32, #tpu.memory_space<hbm>> -> memref<4096xi32, #tpu.memory_space<hbm>>
      tpu.enqueue_dma source(%dma_start3A_136 : memref<4096xi32, #tpu.memory_space<hbm>>) target(%arg10 : memref<4096xi32, #tpu.memory_space<vmem>>) target_semaphore(%arg17 : memref<!tpu.dma_semaphore, #tpu.memory_space<semaphore_mem>>)
      %dma_start3A_137 = arith.constant 1 : i32
      %dma_start3A_138 = tpu.memref_slice %arg2[%dma_start3A_137, %multiple_of3A_131] : memref<2x6400000xi32, #tpu.memory_space<hbm>> -> memref<1x4096xi32, #tpu.memory_space<hbm>>
      %dma_start3A_139 = tpu.memref_squeeze %dma_start3A_138 : memref<1x4096xi32, #tpu.memory_space<hbm>> -> memref<4096xi32, #tpu.memory_space<hbm>>
      %dma_start3A_140 = tpu.memref_slice %arg2[%dma_start3A_137, %multiple_of3A_131] : memref<2x6400000xi32, #tpu.memory_space<hbm>> -> memref<1x4096xi32, #tpu.memory_space<hbm>>
      %dma_start3A_141 = tpu.memref_squeeze %dma_start3A_140 : memref<1x4096xi32, #tpu.memory_space<hbm>> -> memref<4096xi32, #tpu.memory_space<hbm>>
      tpu.enqueue_dma source(%dma_start3A_141 : memref<4096xi32, #tpu.memory_space<hbm>>) target(%arg11 : memref<4096xi32, #tpu.memory_space<vmem>>) target_semaphore(%arg17 : memref<!tpu.dma_semaphore, #tpu.memory_space<semaphore_mem>>)
      %dma_start3A_142 = tpu.memref_slice %arg3[%multiple_of3A_131] : memref<6400000xf32, #tpu.memory_space<hbm>> -> memref<4096xf32, #tpu.memory_space<hbm>>
      %dma_start3A_143 = tpu.memref_slice %arg3[%multiple_of3A_131] : memref<6400000xf32, #tpu.memory_space<hbm>> -> memref<4096xf32, #tpu.memory_space<hbm>>
      tpu.enqueue_dma source(%dma_start3A_143 : memref<4096xf32, #tpu.memory_space<hbm>>) target(%arg12 : memref<4096xf32, #tpu.memory_space<vmem>>) target_semaphore(%arg17 : memref<!tpu.dma_semaphore, #tpu.memory_space<semaphore_mem>>)
      %dma_wait3A_144 = arith.constant 0 : i32
      %dma_wait3A_145 = arith.constant 0 : i32
      %dma_wait3A_146 = tpu.memref_slice %arg2[%dma_wait3A_144, %dma_wait3A_145] : memref<2x6400000xi32, #tpu.memory_space<hbm>> -> memref<1x4096xi32, #tpu.memory_space<hbm>>
      %dma_wait3A_147 = tpu.memref_squeeze %dma_wait3A_146 : memref<1x4096xi32, #tpu.memory_space<hbm>> -> memref<4096xi32, #tpu.memory_space<hbm>>
      %dma_wait3A_148 = arith.constant 0 : i32
      %dma_wait3A_149 = tpu.memref_slice %arg2[%dma_wait3A_144, %dma_wait3A_148] : memref<2x6400000xi32, #tpu.memory_space<hbm>> -> memref<1x4096xi32, #tpu.memory_space<hbm>>
      %dma_wait3A_150 = tpu.memref_squeeze %dma_wait3A_149 : memref<1x4096xi32, #tpu.memory_space<hbm>> -> memref<4096xi32, #tpu.memory_space<hbm>>
      tpu.wait_dma2 semaphore(%arg17 : memref<!tpu.dma_semaphore, #tpu.memory_space<semaphore_mem>>) src(%dma_wait3A_150 : memref<4096xi32, #tpu.memory_space<hbm>>) dst(%arg10 : memref<4096xi32, #tpu.memory_space<vmem>>)
      %dma_wait3A_151 = arith.constant 1 : i32
      %dma_wait3A_152 = arith.constant 0 : i32
      %dma_wait3A_153 = tpu.memref_slice %arg2[%dma_wait3A_151, %dma_wait3A_152] : memref<2x6400000xi32, #tpu.memory_space<hbm>> -> memref<1x4096xi32, #tpu.memory_space<hbm>>
      %dma_wait3A_154 = tpu.memref_squeeze %dma_wait3A_153 : memref<1x4096xi32, #tpu.memory_space<hbm>> -> memref<4096xi32, #tpu.memory_space<hbm>>
      %dma_wait3A_155 = arith.constant 0 : i32
      %dma_wait3A_156 = tpu.memref_slice %arg2[%dma_wait3A_151, %dma_wait3A_155] : memref<2x6400000xi32, #tpu.memory_space<hbm>> -> memref<1x4096xi32, #tpu.memory_space<hbm>>
      %dma_wait3A_157 = tpu.memref_squeeze %dma_wait3A_156 : memref<1x4096xi32, #tpu.memory_space<hbm>> -> memref<4096xi32, #tpu.memory_space<hbm>>
      tpu.wait_dma2 semaphore(%arg17 : memref<!tpu.dma_semaphore, #tpu.memory_space<semaphore_mem>>) src(%dma_wait3A_157 : memref<4096xi32, #tpu.memory_space<hbm>>) dst(%arg11 : memref<4096xi32, #tpu.memory_space<vmem>>)
      %dma_wait3A_158 = arith.constant 0 : i32
      %dma_wait3A_159 = tpu.memref_slice %arg3[%dma_wait3A_158] : memref<6400000xf32, #tpu.memory_space<hbm>> -> memref<4096xf32, #tpu.memory_space<hbm>>
      %dma_wait3A_160 = arith.constant 0 : i32
      %dma_wait3A_161 = tpu.memref_slice %arg3[%dma_wait3A_160] : memref<6400000xf32, #tpu.memory_space<hbm>> -> memref<4096xf32, #tpu.memory_space<hbm>>
      tpu.wait_dma2 semaphore(%arg17 : memref<!tpu.dma_semaphore, #tpu.memory_space<semaphore_mem>>) src(%dma_wait3A_161 : memref<4096xf32, #tpu.memory_space<hbm>>) dst(%arg12 : memref<4096xf32, #tpu.memory_space<vmem>>)
      %scan3A_162 = arith.constant 0 : i32
      %scan3A_163 = arith.constant 0 : i32
      %scan3A_164 = arith.constant 32 : i32
      %scan3A_165 = arith.addi %scan3A_163, %scan3A_164 : i32
      %scan3A_166 = arith.constant 1 : i32
      scf.for %scan3A_200 = %scan3A_163 to %scan3A_165 step %scan3A_166  : i32 {
        %mul3A_201 = arith.constant 128 : i32
        %mul3A_202 = arith.muli %scan3A_200, %mul3A_201 : i32
        %add3A_203 = arith.constant 0 : i32
        %add3A_204 = arith.addi %mul3A_202, %add3A_203 : i32
        %mul3A_205 = arith.constant 128 : i32
        %mul3A_206 = arith.muli %scan3A_200, %mul3A_205 : i32
        %add3A_207 = arith.constant 16 : i32
        %add3A_208 = arith.addi %mul3A_206, %add3A_207 : i32
        %mul3A_209 = arith.constant 128 : i32
        %mul3A_210 = arith.muli %scan3A_200, %mul3A_209 : i32
        %add3A_211 = arith.constant 32 : i32
        %add3A_212 = arith.addi %mul3A_210, %add3A_211 : i32
        %mul3A_213 = arith.constant 128 : i32
        %mul3A_214 = arith.muli %scan3A_200, %mul3A_213 : i32
        %add3A_215 = arith.constant 48 : i32
        %add3A_216 = arith.addi %mul3A_214, %add3A_215 : i32
        %mul3A_217 = arith.constant 128 : i32
        %mul3A_218 = arith.muli %scan3A_200, %mul3A_217 : i32
        %add3A_219 = arith.constant 64 : i32
        %add3A_220 = arith.addi %mul3A_218, %add3A_219 : i32
        %mul3A_221 = arith.constant 128 : i32
        %mul3A_222 = arith.muli %scan3A_200, %mul3A_221 : i32
        %add3A_223 = arith.constant 80 : i32
        %add3A_224 = arith.addi %mul3A_222, %add3A_223 : i32
        %mul3A_225 = arith.constant 128 : i32
        %mul3A_226 = arith.muli %scan3A_200, %mul3A_225 : i32
        %add3A_227 = arith.constant 96 : i32
        %add3A_228 = arith.addi %mul3A_226, %add3A_227 : i32
        %mul3A_229 = arith.constant 128 : i32
        %mul3A_230 = arith.muli %scan3A_200, %mul3A_229 : i32
        %add3A_231 = arith.constant 112 : i32
        %add3A_232 = arith.addi %mul3A_230, %add3A_231 : i32
        %get3A = arith.index_cast %add3A_204 : i32 to index
        %get3A_233 = tpu.vector_load %arg10[%get3A] {strides = array<i32>} : memref<4096xi32, #tpu.memory_space<vmem>>, vector<16xi32>,
        %get3A_234 = arith.index_cast %add3A_208 : i32 to index
        %get3A_235 = tpu.vector_load %arg10[%get3A_234] {strides = array<i32>} : memref<4096xi32, #tpu.memory_space<vmem>>, vector<16xi32>,
        %get3A_236 = arith.index_cast %add3A_212 : i32 to index
        %get3A_237 = tpu.vector_load %arg10[%get3A_236] {strides = array<i32>} : memref<4096xi32, #tpu.memory_space<vmem>>, vector<16xi32>,
        %get3A_238 = arith.index_cast %add3A_216 : i32 to index
        %get3A_239 = tpu.vector_load %arg10[%get3A_238] {strides = array<i32>} : memref<4096xi32, #tpu.memory_space<vmem>>, vector<16xi32>,
        %get3A_240 = arith.index_cast %add3A_220 : i32 to index
        %get3A_241 = tpu.vector_load %arg10[%get3A_240] {strides = array<i32>} : memref<4096xi32, #tpu.memory_space<vmem>>, vector<16xi32>,
        %get3A_242 = arith.index_cast %add3A_224 : i32 to index
        %get3A_243 = tpu.vector_load %arg10[%get3A_242] {strides = array<i32>} : memref<4096xi32, #tpu.memory_space<vmem>>, vector<16xi32>,
        %get3A_244 = arith.index_cast %add3A_228 : i32 to index
        %get3A_245 = tpu.vector_load %arg10[%get3A_244] {strides = array<i32>} : memref<4096xi32, #tpu.memory_space<vmem>>, vector<16xi32>,
        %get3A_246 = arith.index_cast %add3A_232 : i32 to index
        %get3A_247 = tpu.vector_load %arg10[%get3A_246] {strides = array<i32>} : memref<4096xi32, #tpu.memory_space<vmem>>, vector<16xi32>,
        %gather3A = tpu.vector_load_idx %arg6[%get3A_233] : memref<100000xf32, #tpu.memory_space<vmem>>[vector<16xi32>], vector<16xf32>,
        %gather3A_248 = tpu.vector_load_idx %arg6[%get3A_235] : memref<100000xf32, #tpu.memory_space<vmem>>[vector<16xi32>], vector<16xf32>,
        %gather3A_249 = tpu.vector_load_idx %arg6[%get3A_237] : memref<100000xf32, #tpu.memory_space<vmem>>[vector<16xi32>], vector<16xf32>,
        %gather3A_250 = tpu.vector_load_idx %arg6[%get3A_239] : memref<100000xf32, #tpu.memory_space<vmem>>[vector<16xi32>], vector<16xf32>,
        %gather3A_251 = tpu.vector_load_idx %arg6[%get3A_241] : memref<100000xf32, #tpu.memory_space<vmem>>[vector<16xi32>], vector<16xf32>,
        %gather3A_252 = tpu.vector_load_idx %arg6[%get3A_243] : memref<100000xf32, #tpu.memory_space<vmem>>[vector<16xi32>], vector<16xf32>,
        %gather3A_253 = tpu.vector_load_idx %arg6[%get3A_245] : memref<100000xf32, #tpu.memory_space<vmem>>[vector<16xi32>], vector<16xf32>,
        %gather3A_254 = tpu.vector_load_idx %arg6[%get3A_247] : memref<100000xf32, #tpu.memory_space<vmem>>[vector<16xi32>], vector<16xf32>,
        %get3A_255 = arith.index_cast %add3A_204 : i32 to index
        %get3A_256 = tpu.vector_load %arg12[%get3A_255] {strides = array<i32>} : memref<4096xf32, #tpu.memory_space<vmem>>, vector<16xf32>,
        %mul3A_257 = arith.mulf %get3A_256, %gather3A : vector<16xf32>
        %swap3A = arith.index_cast %add3A_204 : i32 to index
        %swap3A_258 = tpu.vector_load %arg12[%swap3A] {strides = array<i32>} : memref<4096xf32, #tpu.memory_space<vmem>>, vector<16xf32>,
        tpu.vector_store %arg12[%swap3A], %mul3A_257 {strides = array<i32>} : memref<4096xf32, #tpu.memory_space<vmem>>, vector<16xf32>,
        %get3A_259 = arith.index_cast %add3A_208 : i32 to index
        %get3A_260 = tpu.vector_load %arg12[%get3A_259] {strides = array<i32>} : memref<4096xf32, #tpu.memory_space<vmem>>, vector<16xf32>,
        %mul3A_261 = arith.mulf %get3A_260, %gather3A_248 : vector<16xf32>
        %swap3A_262 = arith.index_cast %add3A_208 : i32 to index
        %swap3A_263 = tpu.vector_load %arg12[%swap3A_262] {strides = array<i32>} : memref<4096xf32, #tpu.memory_space<vmem>>, vector<16xf32>,
        tpu.vector_store %arg12[%swap3A_262], %mul3A_261 {strides = array<i32>} : memref<4096xf32, #tpu.memory_space<vmem>>, vector<16xf32>,
        %get3A_264 = arith.index_cast %add3A_212 : i32 to index
        %get3A_265 = tpu.vector_load %arg12[%get3A_264] {strides = array<i32>} : memref<4096xf32, #tpu.memory_space<vmem>>, vector<16xf32>,
        %mul3A_266 = arith.mulf %get3A_265, %gather3A_249 : vector<16xf32>
        %swap3A_267 = arith.index_cast %add3A_212 : i32 to index
        %swap3A_268 = tpu.vector_load %arg12[%swap3A_267] {strides = array<i32>} : memref<4096xf32, #tpu.memory_space<vmem>>, vector<16xf32>,
        tpu.vector_store %arg12[%swap3A_267], %mul3A_266 {strides = array<i32>} : memref<4096xf32, #tpu.memory_space<vmem>>, vector<16xf32>,
        %get3A_269 = arith.index_cast %add3A_216 : i32 to index
        %get3A_270 = tpu.vector_load %arg12[%get3A_269] {strides = array<i32>} : memref<4096xf32, #tpu.memory_space<vmem>>, vector<16xf32>,
        %mul3A_271 = arith.mulf %get3A_270, %gather3A_250 : vector<16xf32>
        %swap3A_272 = arith.index_cast %add3A_216 : i32 to index
        %swap3A_273 = tpu.vector_load %arg12[%swap3A_272] {strides = array<i32>} : memref<4096xf32, #tpu.memory_space<vmem>>, vector<16xf32>,
        tpu.vector_store %arg12[%swap3A_272], %mul3A_271 {strides = array<i32>} : memref<4096xf32, #tpu.memory_space<vmem>>, vector<16xf32>,
        %get3A_274 = arith.index_cast %add3A_220 : i32 to index
        %get3A_275 = tpu.vector_load %arg12[%get3A_274] {strides = array<i32>} : memref<4096xf32, #tpu.memory_space<vmem>>, vector<16xf32>,
        %mul3A_276 = arith.mulf %get3A_275, %gather3A_251 : vector<16xf32>
        %swap3A_277 = arith.index_cast %add3A_220 : i32 to index
        %swap3A_278 = tpu.vector_load %arg12[%swap3A_277] {strides = array<i32>} : memref<4096xf32, #tpu.memory_space<vmem>>, vector<16xf32>,
        tpu.vector_store %arg12[%swap3A_277], %mul3A_276 {strides = array<i32>} : memref<4096xf32, #tpu.memory_space<vmem>>, vector<16xf32>,
        %get3A_279 = arith.index_cast %add3A_224 : i32 to index
        %get3A_280 = tpu.vector_load %arg12[%get3A_279] {strides = array<i32>} : memref<4096xf32, #tpu.memory_space<vmem>>, vector<16xf32>,
        %mul3A_281 = arith.mulf %get3A_280, %gather3A_252 : vector<16xf32>
        %swap3A_282 = arith.index_cast %add3A_224 : i32 to index
        %swap3A_283 = tpu.vector_load %arg12[%swap3A_282] {strides = array<i32>} : memref<4096xf32, #tpu.memory_space<vmem>>, vector<16xf32>,
        tpu.vector_store %arg12[%swap3A_282], %mul3A_281 {strides = array<i32>} : memref<4096xf32, #tpu.memory_space<vmem>>, vector<16xf32>,
        %get3A_284 = arith.index_cast %add3A_228 : i32 to index
        %get3A_285 = tpu.vector_load %arg12[%get3A_284] {strides = array<i32>} : memref<4096xf32, #tpu.memory_space<vmem>>, vector<16xf32>,
        %mul3A_286 = arith.mulf %get3A_285, %gather3A_253 : vector<16xf32>
        %swap3A_287 = arith.index_cast %add3A_228 : i32 to index
        %swap3A_288 = tpu.vector_load %arg12[%swap3A_287] {strides = array<i32>} : memref<4096xf32, #tpu.memory_space<vmem>>, vector<16xf32>,
        tpu.vector_store %arg12[%swap3A_287], %mul3A_286 {strides = array<i32>} : memref<4096xf32, #tpu.memory_space<vmem>>, vector<16xf32>,
        %get3A_289 = arith.index_cast %add3A_232 : i32 to index
        %get3A_290 = tpu.vector_load %arg12[%get3A_289] {strides = array<i32>} : memref<4096xf32, #tpu.memory_space<vmem>>, vector<16xf32>,
        %mul3A_291 = arith.mulf %get3A_290, %gather3A_254 : vector<16xf32>
        %swap3A_292 = arith.index_cast %add3A_232 : i32 to index
        %swap3A_293 = tpu.vector_load %arg12[%swap3A_292] {strides = array<i32>} : memref<4096xf32, #tpu.memory_space<vmem>>, vector<16xf32>,
        tpu.vector_store %arg12[%swap3A_292], %mul3A_291 {strides = array<i32>} : memref<4096xf32, #tpu.memory_space<vmem>>, vector<16xf32>,
      }
      %scan3A_167 = arith.constant 32 : i32
      %dma_start3A_168 = arith.constant 0 : i32
      %dma_start3A_169 = tpu.memref_slice %arg13[%dma_start3A_168] : memref<102400xf32, #tpu.memory_space<vmem_shared>> -> memref<102400xf32, #tpu.memory_space<vmem_shared>>
      tpu.enqueue_indirect_dma source(%arg12 : memref<4096xf32, #tpu.memory_space<vmem>>) target(%dma_start3A_169 : memref<102400xf32, #tpu.memory_space<vmem_shared>>) offsets(%arg11 : memref<4096xi32, #tpu.memory_space<vmem>>) semaphore(%arg15 : memref<!tpu.dma_semaphore, #tpu.memory_space<semaphore_mem>>) {add = true}
      %dma_wait3A_170 = arith.constant 0 : i32
      %dma_wait3A_171 = tpu.memref_slice %arg3[%dma_wait3A_170] : memref<6400000xf32, #tpu.memory_space<hbm>> -> memref<4096xf32, #tpu.memory_space<hbm>>
      %dma_wait3A_172 = arith.constant 0 : i32
      %dma_wait3A_173 = tpu.memref_slice %arg3[%dma_wait3A_172] : memref<6400000xf32, #tpu.memory_space<hbm>> -> memref<4096xf32, #tpu.memory_space<hbm>>
      tpu.wait_dma2 semaphore(%arg14 : memref<!tpu.dma_semaphore, #tpu.memory_space<semaphore_mem>>) src(%dma_wait3A_173 : memref<4096xf32, #tpu.memory_space<hbm>>) dst(%arg9 : memref<4096xf32, #tpu.memory_space<vmem>>)
      %mul3A_174 = arith.constant 2 : i32
      %mul3A_175 = arith.muli %mul3A_174, %scan3A_93 : i32
      %add3A_176 = arith.constant 2 : i32
      %add3A_177 = arith.addi %mul3A_175, %add3A_176 : i32
      %mul3A_178 = arith.constant 32 : i32
      %mul3A_179 = arith.muli %add3A_177, %mul3A_178 : i32
      %add3A_180 = arith.addi %add3A_19, %mul3A_179 : i32
      %add3A_181 = arith.addi %add3A_19, %add3A_13 : i32
      %sub3A_182 = arith.constant 32 : i32
      %sub3A_183 = arith.subi %add3A_181, %sub3A_182 : i32
      %min3A_184 = arith.minsi %add3A_180, %sub3A_183 : i32
      %mul3A_185 = arith.constant 128 : i32
      %mul3A_186 = arith.muli %min3A_184, %mul3A_185 : i32
      %multiple_of3A_187 = tpu.assume_multiple %mul3A_186, 8 : i32
      %dma_start3A_188 = arith.constant 0 : i32
      %dma_start3A_189 = tpu.memref_slice %arg2[%dma_start3A_188, %multiple_of3A_187] : memref<2x6400000xi32, #tpu.memory_space<hbm>> -> memref<1x4096xi32, #tpu.memory_space<hbm>>
      %dma_start3A_190 = tpu.memref_squeeze %dma_start3A_189 : memref<1x4096xi32, #tpu.memory_space<hbm>> -> memref<4096xi32, #tpu.memory_space<hbm>>
      %dma_start3A_191 = tpu.memref_slice %arg2[%dma_start3A_188, %multiple_of3A_187] : memref<2x6400000xi32, #tpu.memory_space<hbm>> -> memref<1x4096xi32, #tpu.memory_space<hbm>>
      %dma_start3A_192 = tpu.memref_squeeze %dma_start3A_191 : memref<1x4096xi32, #tpu.memory_space<hbm>> -> memref<4096xi32, #tpu.memory_space<hbm>>
      tpu.enqueue_dma source(%dma_start3A_192 : memref<4096xi32, #tpu.memory_space<hbm>>) target(%arg7 : memref<4096xi32, #tpu.memory_space<vmem>>) target_semaphore(%arg16 : memref<!tpu.dma_semaphore, #tpu.memory_space<semaphore_mem>>)
      %dma_start3A_193 = arith.constant 1 : i32
      %dma_start3A_194 = tpu.memref_slice %arg2[%dma_start3A_193, %multiple_of3A_187] : memref<2x6400000xi32, #tpu.memory_space<hbm>> -> memref<1x4096xi32, #tpu.memory_space<hbm>>
      %dma_start3A_195 = tpu.memref_squeeze %dma_start3A_194 : memref<1x4096xi32, #tpu.memory_space<hbm>> -> memref<4096xi32, #tpu.memory_space<hbm>>
      %dma_start3A_196 = tpu.memref_slice %arg2[%dma_start3A_193, %multiple_of3A_187] : memref<2x6400000xi32, #tpu.memory_space<hbm>> -> memref<1x4096xi32, #tpu.memory_space<hbm>>
      %dma_start3A_197 = tpu.memref_squeeze %dma_start3A_196 : memref<1x4096xi32, #tpu.memory_space<hbm>> -> memref<4096xi32, #tpu.memory_space<hbm>>
      tpu.enqueue_dma source(%dma_start3A_197 : memref<4096xi32, #tpu.memory_space<hbm>>) target(%arg8 : memref<4096xi32, #tpu.memory_space<vmem>>) target_semaphore(%arg16 : memref<!tpu.dma_semaphore, #tpu.memory_space<semaphore_mem>>)
      %dma_start3A_198 = tpu.memref_slice %arg3[%multiple_of3A_187] : memref<6400000xf32, #tpu.memory_space<hbm>> -> memref<4096xf32, #tpu.memory_space<hbm>>
      %dma_start3A_199 = tpu.memref_slice %arg3[%multiple_of3A_187] : memref<6400000xf32, #tpu.memory_space<hbm>> -> memref<4096xf32, #tpu.memory_space<hbm>>
      tpu.enqueue_dma source(%dma_start3A_199 : memref<4096xf32, #tpu.memory_space<hbm>>) target(%arg9 : memref<4096xf32, #tpu.memory_space<vmem>>) target_semaphore(%arg16 : memref<!tpu.dma_semaphore, #tpu.memory_space<semaphore_mem>>)
    }
    %scan3A_38 = arith.constant 24 : i32
    %sub3A = arith.constant 1568 : i32
    %sub3A_39 = arith.subi %sub3A, %add3A_13 : i32
    %dma_wait3A = arith.constant 0 : i32
    %dma_wait3A_40 = arith.constant 0 : i32
    %dma_wait3A_41 = tpu.memref_slice %arg2[%dma_wait3A, %dma_wait3A_40] : memref<2x6400000xi32, #tpu.memory_space<hbm>> -> memref<1x4096xi32, #tpu.memory_space<hbm>>
    %dma_wait3A_42 = tpu.memref_squeeze %dma_wait3A_41 : memref<1x4096xi32, #tpu.memory_space<hbm>> -> memref<4096xi32, #tpu.memory_space<hbm>>
    %dma_wait3A_43 = arith.constant 0 : i32
    %dma_wait3A_44 = tpu.memref_slice %arg2[%dma_wait3A, %dma_wait3A_43] : memref<2x6400000xi32, #tpu.memory_space<hbm>> -> memref<1x4096xi32, #tpu.memory_space<hbm>>
    %dma_wait3A_45 = tpu.memref_squeeze %dma_wait3A_44 : memref<1x4096xi32, #tpu.memory_space<hbm>> -> memref<4096xi32, #tpu.memory_space<hbm>>
    tpu.wait_dma2 semaphore(%arg16 : memref<!tpu.dma_semaphore, #tpu.memory_space<semaphore_mem>>) src(%dma_wait3A_45 : memref<4096xi32, #tpu.memory_space<hbm>>) dst(%arg7 : memref<4096xi32, #tpu.memory_space<vmem>>)
    %dma_wait3A_46 = arith.constant 1 : i32
    %dma_wait3A_47 = arith.constant 0 : i32
    %dma_wait3A_48 = tpu.memref_slice %arg2[%dma_wait3A_46, %dma_wait3A_47] : memref<2x6400000xi32, #tpu.memory_space<hbm>> -> memref<1x4096xi32, #tpu.memory_space<hbm>>
    %dma_wait3A_49 = tpu.memref_squeeze %dma_wait3A_48 : memref<1x4096xi32, #tpu.memory_space<hbm>> -> memref<4096xi32, #tpu.memory_space<hbm>>
    %dma_wait3A_50 = arith.constant 0 : i32
    %dma_wait3A_51 = tpu.memref_slice %arg2[%dma_wait3A_46, %dma_wait3A_50] : memref<2x6400000xi32, #tpu.memory_space<hbm>> -> memref<1x4096xi32, #tpu.memory_space<hbm>>
    %dma_wait3A_52 = tpu.memref_squeeze %dma_wait3A_51 : memref<1x4096xi32, #tpu.memory_space<hbm>> -> memref<4096xi32, #tpu.memory_space<hbm>>
    tpu.wait_dma2 semaphore(%arg16 : memref<!tpu.dma_semaphore, #tpu.memory_space<semaphore_mem>>) src(%dma_wait3A_52 : memref<4096xi32, #tpu.memory_space<hbm>>) dst(%arg8 : memref<4096xi32, #tpu.memory_space<vmem>>)
    %dma_wait3A_53 = arith.constant 0 : i32
    %dma_wait3A_54 = tpu.memref_slice %arg3[%dma_wait3A_53] : memref<6400000xf32, #tpu.memory_space<hbm>> -> memref<4096xf32, #tpu.memory_space<hbm>>
    %dma_wait3A_55 = arith.constant 0 : i32
    %dma_wait3A_56 = tpu.memref_slice %arg3[%dma_wait3A_55] : memref<6400000xf32, #tpu.memory_space<hbm>> -> memref<4096xf32, #tpu.memory_space<hbm>>
    tpu.wait_dma2 semaphore(%arg16 : memref<!tpu.dma_semaphore, #tpu.memory_space<semaphore_mem>>) src(%dma_wait3A_56 : memref<4096xf32, #tpu.memory_space<hbm>>) dst(%arg9 : memref<4096xf32, #tpu.memory_space<vmem>>)
    %mul3A_57 = arith.constant 8 : i32
    %mul3A_58 = arith.muli %sub3A_39, %mul3A_57 : i32
    %while3A = arith.constant 0 : i32
    %while3A_59 = arith.constant 0 : i32
    %while3A_60 = arith.subi %mul3A_58, %while3A_59 : i32
    %while3A_61 = arith.addi %while3A_59, %while3A_60 : i32
    %while3A_62 = arith.constant 1 : i32
    %while3A_63 = arith.divsi %while3A_60, %while3A_62 : i32
    %while3A_64 = arith.muli %while3A_63, %while3A_62 : i32
    %while3A_65 = arith.addi %while3A_59, %while3A_64 : i32
    %while3A_66 = arith.constant 1 : i32
    scf.for %while3A_93 = %while3A_59 to %while3A_65 step %while3A_66  : i32 {
      %broadcast_in_dim3A = arith.constant 0.000000e+00 : f32
      %broadcast_in_dim3A_94 = vector.broadcast %broadcast_in_dim3A : f32 to vector<16xf32>
      %mul3A_95 = arith.constant 16 : i32
      %mul3A_96 = arith.muli %while3A_93, %mul3A_95 : i32
      %swap3A = arith.index_cast %mul3A_96 : i32 to index
      %swap3A_97 = tpu.vector_load %arg9[%swap3A] {strides = array<i32>} : memref<4096xf32, #tpu.memory_space<vmem>>, vector<16xf32>,
      tpu.vector_store %arg9[%swap3A], %broadcast_in_dim3A_94 {strides = array<i32>} : memref<4096xf32, #tpu.memory_space<vmem>>, vector<16xf32>,
    }
    %while3A_67 = arith.constant 1 : i32
    scf.for %while3A_93 = %while3A_65 to %while3A_61 step %while3A_67  : i32 {
      %broadcast_in_dim3A = arith.constant 0.000000e+00 : f32
      %broadcast_in_dim3A_94 = vector.broadcast %broadcast_in_dim3A : f32 to vector<16xf32>
      %mul3A_95 = arith.constant 16 : i32
      %mul3A_96 = arith.muli %while3A_93, %mul3A_95 : i32
      %swap3A = arith.index_cast %mul3A_96 : i32 to index
      %swap3A_97 = tpu.vector_load %arg9[%swap3A] {strides = array<i32>} : memref<4096xf32, #tpu.memory_space<vmem>>, vector<16xf32>,
      tpu.vector_store %arg9[%swap3A], %broadcast_in_dim3A_94 {strides = array<i32>} : memref<4096xf32, #tpu.memory_space<vmem>>, vector<16xf32>,
    }
    %while3A_68 = arith.constant 0 : i32
    %while3A_69 = arith.constant 32 : i32
    %while3A_70 = arith.subi %while3A_69, %sub3A_39 : i32
    %while3A_71 = arith.addi %sub3A_39, %while3A_70 : i32
    %while3A_72 = arith.constant 1 : i32
    %while3A_73 = arith.divsi %while3A_70, %while3A_72 : i32
    %while3A_74 = arith.muli %while3A_73, %while3A_72 : i32
    %while3A_75 = arith.addi %sub3A_39, %while3A_74 : i32
    %while3A_76 = arith.constant 1 : i32
    scf.for %while3A_93 = %sub3A_39 to %while3A_75 step %while3A_76  : i32 {
      %mul3A_94 = arith.constant 128 : i32
      %mul3A_95 = arith.muli %while3A_93, %mul3A_94 : i32
      %add3A_96 = arith.constant 0 : i32
      %add3A_97 = arith.addi %mul3A_95, %add3A_96 : i32
      %mul3A_98 = arith.constant 128 : i32
      %mul3A_99 = arith.muli %while3A_93, %mul3A_98 : i32
      %add3A_100 = arith.constant 16 : i32
      %add3A_101 = arith.addi %mul3A_99, %add3A_100 : i32
      %mul3A_102 = arith.constant 128 : i32
      %mul3A_103 = arith.muli %while3A_93, %mul3A_102 : i32
      %add3A_104 = arith.constant 32 : i32
      %add3A_105 = arith.addi %mul3A_103, %add3A_104 : i32
      %mul3A_106 = arith.constant 128 : i32
      %mul3A_107 = arith.muli %while3A_93, %mul3A_106 : i32
      %add3A_108 = arith.constant 48 : i32
      %add3A_109 = arith.addi %mul3A_107, %add3A_108 : i32
      %mul3A_110 = arith.constant 128 : i32
      %mul3A_111 = arith.muli %while3A_93, %mul3A_110 : i32
      %add3A_112 = arith.constant 64 : i32
      %add3A_113 = arith.addi %mul3A_111, %add3A_112 : i32
      %mul3A_114 = arith.constant 128 : i32
      %mul3A_115 = arith.muli %while3A_93, %mul3A_114 : i32
      %add3A_116 = arith.constant 80 : i32
      %add3A_117 = arith.addi %mul3A_115, %add3A_116 : i32
      %mul3A_118 = arith.constant 128 : i32
      %mul3A_119 = arith.muli %while3A_93, %mul3A_118 : i32
      %add3A_120 = arith.constant 96 : i32
      %add3A_121 = arith.addi %mul3A_119, %add3A_120 : i32
      %mul3A_122 = arith.constant 128 : i32
      %mul3A_123 = arith.muli %while3A_93, %mul3A_122 : i32
      %add3A_124 = arith.constant 112 : i32
      %add3A_125 = arith.addi %mul3A_123, %add3A_124 : i32
      %get3A = arith.index_cast %add3A_97 : i32 to index
      %get3A_126 = tpu.vector_load %arg7[%get3A] {strides = array<i32>} : memref<4096xi32, #tpu.memory_space<vmem>>, vector<16xi32>,
      %get3A_127 = arith.index_cast %add3A_101 : i32 to index
      %get3A_128 = tpu.vector_load %arg7[%get3A_127] {strides = array<i32>} : memref<4096xi32, #tpu.memory_space<vmem>>, vector<16xi32>,
      %get3A_129 = arith.index_cast %add3A_105 : i32 to index
      %get3A_130 = tpu.vector_load %arg7[%get3A_129] {strides = array<i32>} : memref<4096xi32, #tpu.memory_space<vmem>>, vector<16xi32>,
      %get3A_131 = arith.index_cast %add3A_109 : i32 to index
      %get3A_132 = tpu.vector_load %arg7[%get3A_131] {strides = array<i32>} : memref<4096xi32, #tpu.memory_space<vmem>>, vector<16xi32>,
      %get3A_133 = arith.index_cast %add3A_113 : i32 to index
      %get3A_134 = tpu.vector_load %arg7[%get3A_133] {strides = array<i32>} : memref<4096xi32, #tpu.memory_space<vmem>>, vector<16xi32>,
      %get3A_135 = arith.index_cast %add3A_117 : i32 to index
      %get3A_136 = tpu.vector_load %arg7[%get3A_135] {strides = array<i32>} : memref<4096xi32, #tpu.memory_space<vmem>>, vector<16xi32>,
      %get3A_137 = arith.index_cast %add3A_121 : i32 to index
      %get3A_138 = tpu.vector_load %arg7[%get3A_137] {strides = array<i32>} : memref<4096xi32, #tpu.memory_space<vmem>>, vector<16xi32>,
      %get3A_139 = arith.index_cast %add3A_125 : i32 to index
      %get3A_140 = tpu.vector_load %arg7[%get3A_139] {strides = array<i32>} : memref<4096xi32, #tpu.memory_space<vmem>>, vector<16xi32>,
      %gather3A = tpu.vector_load_idx %arg6[%get3A_126] : memref<100000xf32, #tpu.memory_space<vmem>>[vector<16xi32>], vector<16xf32>,
      %gather3A_141 = tpu.vector_load_idx %arg6[%get3A_128] : memref<100000xf32, #tpu.memory_space<vmem>>[vector<16xi32>], vector<16xf32>,
      %gather3A_142 = tpu.vector_load_idx %arg6[%get3A_130] : memref<100000xf32, #tpu.memory_space<vmem>>[vector<16xi32>], vector<16xf32>,
      %gather3A_143 = tpu.vector_load_idx %arg6[%get3A_132] : memref<100000xf32, #tpu.memory_space<vmem>>[vector<16xi32>], vector<16xf32>,
      %gather3A_144 = tpu.vector_load_idx %arg6[%get3A_134] : memref<100000xf32, #tpu.memory_space<vmem>>[vector<16xi32>], vector<16xf32>,
      %gather3A_145 = tpu.vector_load_idx %arg6[%get3A_136] : memref<100000xf32, #tpu.memory_space<vmem>>[vector<16xi32>], vector<16xf32>,
      %gather3A_146 = tpu.vector_load_idx %arg6[%get3A_138] : memref<100000xf32, #tpu.memory_space<vmem>>[vector<16xi32>], vector<16xf32>,
      %gather3A_147 = tpu.vector_load_idx %arg6[%get3A_140] : memref<100000xf32, #tpu.memory_space<vmem>>[vector<16xi32>], vector<16xf32>,
      %get3A_148 = arith.index_cast %add3A_97 : i32 to index
      %get3A_149 = tpu.vector_load %arg9[%get3A_148] {strides = array<i32>} : memref<4096xf32, #tpu.memory_space<vmem>>, vector<16xf32>,
      %mul3A_150 = arith.mulf %get3A_149, %gather3A : vector<16xf32>
      %swap3A = arith.index_cast %add3A_97 : i32 to index
      %swap3A_151 = tpu.vector_load %arg9[%swap3A] {strides = array<i32>} : memref<4096xf32, #tpu.memory_space<vmem>>, vector<16xf32>,
      tpu.vector_store %arg9[%swap3A], %mul3A_150 {strides = array<i32>} : memref<4096xf32, #tpu.memory_space<vmem>>, vector<16xf32>,
      %get3A_152 = arith.index_cast %add3A_101 : i32 to index
      %get3A_153 = tpu.vector_load %arg9[%get3A_152] {strides = array<i32>} : memref<4096xf32, #tpu.memory_space<vmem>>, vector<16xf32>,
      %mul3A_154 = arith.mulf %get3A_153, %gather3A_141 : vector<16xf32>
      %swap3A_155 = arith.index_cast %add3A_101 : i32 to index
      %swap3A_156 = tpu.vector_load %arg9[%swap3A_155] {strides = array<i32>} : memref<4096xf32, #tpu.memory_space<vmem>>, vector<16xf32>,
      tpu.vector_store %arg9[%swap3A_155], %mul3A_154 {strides = array<i32>} : memref<4096xf32, #tpu.memory_space<vmem>>, vector<16xf32>,
      %get3A_157 = arith.index_cast %add3A_105 : i32 to index
      %get3A_158 = tpu.vector_load %arg9[%get3A_157] {strides = array<i32>} : memref<4096xf32, #tpu.memory_space<vmem>>, vector<16xf32>,
      %mul3A_159 = arith.mulf %get3A_158, %gather3A_142 : vector<16xf32>
      %swap3A_160 = arith.index_cast %add3A_105 : i32 to index
      %swap3A_161 = tpu.vector_load %arg9[%swap3A_160] {strides = array<i32>} : memref<4096xf32, #tpu.memory_space<vmem>>, vector<16xf32>,
      tpu.vector_store %arg9[%swap3A_160], %mul3A_159 {strides = array<i32>} : memref<4096xf32, #tpu.memory_space<vmem>>, vector<16xf32>,
      %get3A_162 = arith.index_cast %add3A_109 : i32 to index
      %get3A_163 = tpu.vector_load %arg9[%get3A_162] {strides = array<i32>} : memref<4096xf32, #tpu.memory_space<vmem>>, vector<16xf32>,
      %mul3A_164 = arith.mulf %get3A_163, %gather3A_143 : vector<16xf32>
      %swap3A_165 = arith.index_cast %add3A_109 : i32 to index
      %swap3A_166 = tpu.vector_load %arg9[%swap3A_165] {strides = array<i32>} : memref<4096xf32, #tpu.memory_space<vmem>>, vector<16xf32>,
      tpu.vector_store %arg9[%swap3A_165], %mul3A_164 {strides = array<i32>} : memref<4096xf32, #tpu.memory_space<vmem>>, vector<16xf32>,
      %get3A_167 = arith.index_cast %add3A_113 : i32 to index
      %get3A_168 = tpu.vector_load %arg9[%get3A_167] {strides = array<i32>} : memref<4096xf32, #tpu.memory_space<vmem>>, vector<16xf32>,
      %mul3A_169 = arith.mulf %get3A_168, %gather3A_144 : vector<16xf32>
      %swap3A_170 = arith.index_cast %add3A_113 : i32 to index
      %swap3A_171 = tpu.vector_load %arg9[%swap3A_170] {strides = array<i32>} : memref<4096xf32, #tpu.memory_space<vmem>>, vector<16xf32>,
      tpu.vector_store %arg9[%swap3A_170], %mul3A_169 {strides = array<i32>} : memref<4096xf32, #tpu.memory_space<vmem>>, vector<16xf32>,
      %get3A_172 = arith.index_cast %add3A_117 : i32 to index
      %get3A_173 = tpu.vector_load %arg9[%get3A_172] {strides = array<i32>} : memref<4096xf32, #tpu.memory_space<vmem>>, vector<16xf32>,
      %mul3A_174 = arith.mulf %get3A_173, %gather3A_145 : vector<16xf32>
      %swap3A_175 = arith.index_cast %add3A_117 : i32 to index
      %swap3A_176 = tpu.vector_load %arg9[%swap3A_175] {strides = array<i32>} : memref<4096xf32, #tpu.memory_space<vmem>>, vector<16xf32>,
      tpu.vector_store %arg9[%swap3A_175], %mul3A_174 {strides = array<i32>} : memref<4096xf32, #tpu.memory_space<vmem>>, vector<16xf32>,
      %get3A_177 = arith.index_cast %add3A_121 : i32 to index
      %get3A_178 = tpu.vector_load %arg9[%get3A_177] {strides = array<i32>} : memref<4096xf32, #tpu.memory_space<vmem>>, vector<16xf32>,
      %mul3A_179 = arith.mulf %get3A_178, %gather3A_146 : vector<16xf32>
      %swap3A_180 = arith.index_cast %add3A_121 : i32 to index
      %swap3A_181 = tpu.vector_load %arg9[%swap3A_180] {strides = array<i32>} : memref<4096xf32, #tpu.memory_space<vmem>>, vector<16xf32>,
      tpu.vector_store %arg9[%swap3A_180], %mul3A_179 {strides = array<i32>} : memref<4096xf32, #tpu.memory_space<vmem>>, vector<16xf32>,
      %get3A_182 = arith.index_cast %add3A_125 : i32 to index
      %get3A_183 = tpu.vector_load %arg9[%get3A_182] {strides = array<i32>} : memref<4096xf32, #tpu.memory_space<vmem>>, vector<16xf32>,
      %mul3A_184 = arith.mulf %get3A_183, %gather3A_147 : vector<16xf32>
      %swap3A_185 = arith.index_cast %add3A_125 : i32 to index
      %swap3A_186 = tpu.vector_load %arg9[%swap3A_185] {strides = array<i32>} : memref<4096xf32, #tpu.memory_space<vmem>>, vector<16xf32>,
      tpu.vector_store %arg9[%swap3A_185], %mul3A_184 {strides = array<i32>} : memref<4096xf32, #tpu.memory_space<vmem>>, vector<16xf32>,
    }
    %while3A_77 = arith.constant 1 : i32
    scf.for %while3A_93 = %while3A_75 to %while3A_71 step %while3A_77  : i32 {
      %mul3A_94 = arith.constant 128 : i32
      %mul3A_95 = arith.muli %while3A_93, %mul3A_94 : i32
      %add3A_96 = arith.constant 0 : i32
      %add3A_97 = arith.addi %mul3A_95, %add3A_96 : i32
      %mul3A_98 = arith.constant 128 : i32
      %mul3A_99 = arith.muli %while3A_93, %mul3A_98 : i32
      %add3A_100 = arith.constant 16 : i32
      %add3A_101 = arith.addi %mul3A_99, %add3A_100 : i32
      %mul3A_102 = arith.constant 128 : i32
      %mul3A_103 = arith.muli %while3A_93, %mul3A_102 : i32
      %add3A_104 = arith.constant 32 : i32
      %add3A_105 = arith.addi %mul3A_103, %add3A_104 : i32
      %mul3A_106 = arith.constant 128 : i32
      %mul3A_107 = arith.muli %while3A_93, %mul3A_106 : i32
      %add3A_108 = arith.constant 48 : i32
      %add3A_109 = arith.addi %mul3A_107, %add3A_108 : i32
      %mul3A_110 = arith.constant 128 : i32
      %mul3A_111 = arith.muli %while3A_93, %mul3A_110 : i32
      %add3A_112 = arith.constant 64 : i32
      %add3A_113 = arith.addi %mul3A_111, %add3A_112 : i32
      %mul3A_114 = arith.constant 128 : i32
      %mul3A_115 = arith.muli %while3A_93, %mul3A_114 : i32
      %add3A_116 = arith.constant 80 : i32
      %add3A_117 = arith.addi %mul3A_115, %add3A_116 : i32
      %mul3A_118 = arith.constant 128 : i32
      %mul3A_119 = arith.muli %while3A_93, %mul3A_118 : i32
      %add3A_120 = arith.constant 96 : i32
      %add3A_121 = arith.addi %mul3A_119, %add3A_120 : i32
      %mul3A_122 = arith.constant 128 : i32
      %mul3A_123 = arith.muli %while3A_93, %mul3A_122 : i32
      %add3A_124 = arith.constant 112 : i32
      %add3A_125 = arith.addi %mul3A_123, %add3A_124 : i32
      %get3A = arith.index_cast %add3A_97 : i32 to index
      %get3A_126 = tpu.vector_load %arg7[%get3A] {strides = array<i32>} : memref<4096xi32, #tpu.memory_space<vmem>>, vector<16xi32>,
      %get3A_127 = arith.index_cast %add3A_101 : i32 to index
      %get3A_128 = tpu.vector_load %arg7[%get3A_127] {strides = array<i32>} : memref<4096xi32, #tpu.memory_space<vmem>>, vector<16xi32>,
      %get3A_129 = arith.index_cast %add3A_105 : i32 to index
      %get3A_130 = tpu.vector_load %arg7[%get3A_129] {strides = array<i32>} : memref<4096xi32, #tpu.memory_space<vmem>>, vector<16xi32>,
      %get3A_131 = arith.index_cast %add3A_109 : i32 to index
      %get3A_132 = tpu.vector_load %arg7[%get3A_131] {strides = array<i32>} : memref<4096xi32, #tpu.memory_space<vmem>>, vector<16xi32>,
      %get3A_133 = arith.index_cast %add3A_113 : i32 to index
      %get3A_134 = tpu.vector_load %arg7[%get3A_133] {strides = array<i32>} : memref<4096xi32, #tpu.memory_space<vmem>>, vector<16xi32>,
      %get3A_135 = arith.index_cast %add3A_117 : i32 to index
      %get3A_136 = tpu.vector_load %arg7[%get3A_135] {strides = array<i32>} : memref<4096xi32, #tpu.memory_space<vmem>>, vector<16xi32>,
      %get3A_137 = arith.index_cast %add3A_121 : i32 to index
      %get3A_138 = tpu.vector_load %arg7[%get3A_137] {strides = array<i32>} : memref<4096xi32, #tpu.memory_space<vmem>>, vector<16xi32>,
      %get3A_139 = arith.index_cast %add3A_125 : i32 to index
      %get3A_140 = tpu.vector_load %arg7[%get3A_139] {strides = array<i32>} : memref<4096xi32, #tpu.memory_space<vmem>>, vector<16xi32>,
      %gather3A = tpu.vector_load_idx %arg6[%get3A_126] : memref<100000xf32, #tpu.memory_space<vmem>>[vector<16xi32>], vector<16xf32>,
      %gather3A_141 = tpu.vector_load_idx %arg6[%get3A_128] : memref<100000xf32, #tpu.memory_space<vmem>>[vector<16xi32>], vector<16xf32>,
      %gather3A_142 = tpu.vector_load_idx %arg6[%get3A_130] : memref<100000xf32, #tpu.memory_space<vmem>>[vector<16xi32>], vector<16xf32>,
      %gather3A_143 = tpu.vector_load_idx %arg6[%get3A_132] : memref<100000xf32, #tpu.memory_space<vmem>>[vector<16xi32>], vector<16xf32>,
      %gather3A_144 = tpu.vector_load_idx %arg6[%get3A_134] : memref<100000xf32, #tpu.memory_space<vmem>>[vector<16xi32>], vector<16xf32>,
      %gather3A_145 = tpu.vector_load_idx %arg6[%get3A_136] : memref<100000xf32, #tpu.memory_space<vmem>>[vector<16xi32>], vector<16xf32>,
      %gather3A_146 = tpu.vector_load_idx %arg6[%get3A_138] : memref<100000xf32, #tpu.memory_space<vmem>>[vector<16xi32>], vector<16xf32>,
      %gather3A_147 = tpu.vector_load_idx %arg6[%get3A_140] : memref<100000xf32, #tpu.memory_space<vmem>>[vector<16xi32>], vector<16xf32>,
      %get3A_148 = arith.index_cast %add3A_97 : i32 to index
      %get3A_149 = tpu.vector_load %arg9[%get3A_148] {strides = array<i32>} : memref<4096xf32, #tpu.memory_space<vmem>>, vector<16xf32>,
      %mul3A_150 = arith.mulf %get3A_149, %gather3A : vector<16xf32>
      %swap3A = arith.index_cast %add3A_97 : i32 to index
      %swap3A_151 = tpu.vector_load %arg9[%swap3A] {strides = array<i32>} : memref<4096xf32, #tpu.memory_space<vmem>>, vector<16xf32>,
      tpu.vector_store %arg9[%swap3A], %mul3A_150 {strides = array<i32>} : memref<4096xf32, #tpu.memory_space<vmem>>, vector<16xf32>,
      %get3A_152 = arith.index_cast %add3A_101 : i32 to index
      %get3A_153 = tpu.vector_load %arg9[%get3A_152] {strides = array<i32>} : memref<4096xf32, #tpu.memory_space<vmem>>, vector<16xf32>,
      %mul3A_154 = arith.mulf %get3A_153, %gather3A_141 : vector<16xf32>
      %swap3A_155 = arith.index_cast %add3A_101 : i32 to index
      %swap3A_156 = tpu.vector_load %arg9[%swap3A_155] {strides = array<i32>} : memref<4096xf32, #tpu.memory_space<vmem>>, vector<16xf32>,
      tpu.vector_store %arg9[%swap3A_155], %mul3A_154 {strides = array<i32>} : memref<4096xf32, #tpu.memory_space<vmem>>, vector<16xf32>,
      %get3A_157 = arith.index_cast %add3A_105 : i32 to index
      %get3A_158 = tpu.vector_load %arg9[%get3A_157] {strides = array<i32>} : memref<4096xf32, #tpu.memory_space<vmem>>, vector<16xf32>,
      %mul3A_159 = arith.mulf %get3A_158, %gather3A_142 : vector<16xf32>
      %swap3A_160 = arith.index_cast %add3A_105 : i32 to index
      %swap3A_161 = tpu.vector_load %arg9[%swap3A_160] {strides = array<i32>} : memref<4096xf32, #tpu.memory_space<vmem>>, vector<16xf32>,
      tpu.vector_store %arg9[%swap3A_160], %mul3A_159 {strides = array<i32>} : memref<4096xf32, #tpu.memory_space<vmem>>, vector<16xf32>,
      %get3A_162 = arith.index_cast %add3A_109 : i32 to index
      %get3A_163 = tpu.vector_load %arg9[%get3A_162] {strides = array<i32>} : memref<4096xf32, #tpu.memory_space<vmem>>, vector<16xf32>,
      %mul3A_164 = arith.mulf %get3A_163, %gather3A_143 : vector<16xf32>
      %swap3A_165 = arith.index_cast %add3A_109 : i32 to index
      %swap3A_166 = tpu.vector_load %arg9[%swap3A_165] {strides = array<i32>} : memref<4096xf32, #tpu.memory_space<vmem>>, vector<16xf32>,
      tpu.vector_store %arg9[%swap3A_165], %mul3A_164 {strides = array<i32>} : memref<4096xf32, #tpu.memory_space<vmem>>, vector<16xf32>,
      %get3A_167 = arith.index_cast %add3A_113 : i32 to index
      %get3A_168 = tpu.vector_load %arg9[%get3A_167] {strides = array<i32>} : memref<4096xf32, #tpu.memory_space<vmem>>, vector<16xf32>,
      %mul3A_169 = arith.mulf %get3A_168, %gather3A_144 : vector<16xf32>
      %swap3A_170 = arith.index_cast %add3A_113 : i32 to index
      %swap3A_171 = tpu.vector_load %arg9[%swap3A_170] {strides = array<i32>} : memref<4096xf32, #tpu.memory_space<vmem>>, vector<16xf32>,
      tpu.vector_store %arg9[%swap3A_170], %mul3A_169 {strides = array<i32>} : memref<4096xf32, #tpu.memory_space<vmem>>, vector<16xf32>,
      %get3A_172 = arith.index_cast %add3A_117 : i32 to index
      %get3A_173 = tpu.vector_load %arg9[%get3A_172] {strides = array<i32>} : memref<4096xf32, #tpu.memory_space<vmem>>, vector<16xf32>,
      %mul3A_174 = arith.mulf %get3A_173, %gather3A_145 : vector<16xf32>
      %swap3A_175 = arith.index_cast %add3A_117 : i32 to index
      %swap3A_176 = tpu.vector_load %arg9[%swap3A_175] {strides = array<i32>} : memref<4096xf32, #tpu.memory_space<vmem>>, vector<16xf32>,
      tpu.vector_store %arg9[%swap3A_175], %mul3A_174 {strides = array<i32>} : memref<4096xf32, #tpu.memory_space<vmem>>, vector<16xf32>,
      %get3A_177 = arith.index_cast %add3A_121 : i32 to index
      %get3A_178 = tpu.vector_load %arg9[%get3A_177] {strides = array<i32>} : memref<4096xf32, #tpu.memory_space<vmem>>, vector<16xf32>,
      %mul3A_179 = arith.mulf %get3A_178, %gather3A_146 : vector<16xf32>
      %swap3A_180 = arith.index_cast %add3A_121 : i32 to index
      %swap3A_181 = tpu.vector_load %arg9[%swap3A_180] {strides = array<i32>} : memref<4096xf32, #tpu.memory_space<vmem>>, vector<16xf32>,
      tpu.vector_store %arg9[%swap3A_180], %mul3A_179 {strides = array<i32>} : memref<4096xf32, #tpu.memory_space<vmem>>, vector<16xf32>,
      %get3A_182 = arith.index_cast %add3A_125 : i32 to index
      %get3A_183 = tpu.vector_load %arg9[%get3A_182] {strides = array<i32>} : memref<4096xf32, #tpu.memory_space<vmem>>, vector<16xf32>,
      %mul3A_184 = arith.mulf %get3A_183, %gather3A_147 : vector<16xf32>
      %swap3A_185 = arith.index_cast %add3A_125 : i32 to index
      %swap3A_186 = tpu.vector_load %arg9[%swap3A_185] {strides = array<i32>} : memref<4096xf32, #tpu.memory_space<vmem>>, vector<16xf32>,
      tpu.vector_store %arg9[%swap3A_185], %mul3A_184 {strides = array<i32>} : memref<4096xf32, #tpu.memory_space<vmem>>, vector<16xf32>,
    }
    %dma_start3A_78 = arith.constant 0 : i32
    %dma_start3A_79 = tpu.memref_slice %arg13[%dma_start3A_78] : memref<102400xf32, #tpu.memory_space<vmem_shared>> -> memref<102400xf32, #tpu.memory_space<vmem_shared>>
    tpu.enqueue_indirect_dma source(%arg9 : memref<4096xf32, #tpu.memory_space<vmem>>) target(%dma_start3A_79 : memref<102400xf32, #tpu.memory_space<vmem_shared>>) offsets(%arg8 : memref<4096xi32, #tpu.memory_space<vmem>>) semaphore(%arg14 : memref<!tpu.dma_semaphore, #tpu.memory_space<semaphore_mem>>) {add = true}
    %dma_wait3A_80 = arith.constant 0 : i32
    %dma_wait3A_81 = tpu.memref_slice %arg3[%dma_wait3A_80] : memref<6400000xf32, #tpu.memory_space<hbm>> -> memref<4096xf32, #tpu.memory_space<hbm>>
    %dma_wait3A_82 = arith.constant 0 : i32
    %dma_wait3A_83 = tpu.memref_slice %arg3[%dma_wait3A_82] : memref<6400000xf32, #tpu.memory_space<hbm>> -> memref<4096xf32, #tpu.memory_space<hbm>>
    tpu.wait_dma2 semaphore(%arg15 : memref<!tpu.dma_semaphore, #tpu.memory_space<semaphore_mem>>) src(%dma_wait3A_83 : memref<4096xf32, #tpu.memory_space<hbm>>) dst(%arg12 : memref<4096xf32, #tpu.memory_space<vmem>>)
    %dma_wait3A_84 = arith.constant 0 : i32
    %dma_wait3A_85 = tpu.memref_slice %arg3[%dma_wait3A_84] : memref<6400000xf32, #tpu.memory_space<hbm>> -> memref<4096xf32, #tpu.memory_space<hbm>>
    %dma_wait3A_86 = arith.constant 0 : i32
    %dma_wait3A_87 = tpu.memref_slice %arg3[%dma_wait3A_86] : memref<6400000xf32, #tpu.memory_space<hbm>> -> memref<4096xf32, #tpu.memory_space<hbm>>
    tpu.wait_dma2 semaphore(%arg14 : memref<!tpu.dma_semaphore, #tpu.memory_space<semaphore_mem>>) src(%dma_wait3A_87 : memref<4096xf32, #tpu.memory_space<hbm>>) dst(%arg9 : memref<4096xf32, #tpu.memory_space<vmem>>)
    %barrier3A_88 = arith.constant 0 : index
    tpu.barrier barrier_id(%barrier3A_88)
    %mul3A_89 = arith.constant 102400 : i32
    %mul3A_90 = arith.muli %arg0, %mul3A_89 : i32
    %add3A_91 = arith.addi %mul3A_90, %mul3A_7 : i32
    %multiple_of3A_92 = tpu.assume_multiple %add3A_91, 8 : i32
    "tpu.region"() ({
      %run_scoped3A = tpu.sem_alloc : memref<!tpu.dma_semaphore, #tpu.memory_space<semaphore_mem>>
      %dma_start3A_93 = tpu.memref_slice %arg5[%multiple_of3A_92] : memref<204800xf32, #tpu.memory_space<hbm>> -> memref<6400xf32, #tpu.memory_space<hbm>>
      %dma_start3A_94 = tpu.memref_slice %arg13[%mul3A_7] : memref<102400xf32, #tpu.memory_space<vmem_shared>> -> memref<6400xf32, #tpu.memory_space<vmem_shared>>
      tpu.enqueue_dma source(%dma_start3A_94 : memref<6400xf32, #tpu.memory_space<vmem_shared>>) target(%dma_start3A_93 : memref<6400xf32, #tpu.memory_space<hbm>>) target_semaphore(%run_scoped3A : memref<!tpu.dma_semaphore, #tpu.memory_space<semaphore_mem>>)
      %dma_wait3A_95 = tpu.memref_slice %arg5[%multiple_of3A_92] : memref<204800xf32, #tpu.memory_space<hbm>> -> memref<6400xf32, #tpu.memory_space<hbm>>
      %dma_wait3A_96 = tpu.memref_slice %arg13[%mul3A_7] : memref<102400xf32, #tpu.memory_space<vmem_shared>> -> memref<6400xf32, #tpu.memory_space<vmem_shared>>
      tpu.wait_dma2 semaphore(%run_scoped3A : memref<!tpu.dma_semaphore, #tpu.memory_space<semaphore_mem>>) src(%dma_wait3A_96 : memref<6400xf32, #tpu.memory_space<vmem_shared>>) dst(%dma_wait3A_95 : memref<6400xf32, #tpu.memory_space<hbm>>)
      tpu.yield
    }) : () -> ()
    return
  }
}

</mosaic_0001>

<sc_bundles>
// kernel: _sc_edges.3.cloned.1.call-start
scs
__scs_entry_jumppad:
0x0: {  	(pc) =	sbr.rel $0x88, $3  }
0x1: {  	(tag) =	ssettag $0x0;
	lr =	simm.s32 $0x1  }
0x2: {  	[smem:$0x3F9E] =	sst lr;
	_ =	strace $0xD0000000  }
0x3: {  	_ = 	snop  }
0x4: {  	_ = 	snop  }
0x5: {  	_ = 	snop  }
0x6: {  	_ = 	snop  }
0x7: {  	_ = 	snop  }
__scs_overlays_trampoline_lowered:
0x8: {  	[smem:$0x3FAD] =	sst s0  }
0x9: {  	[smem:$0x3FAE] =	sst s1  }
0xa: {  	[smem:$0x3FAF] =	sst s2  }
0xb: {  	[smem:$0x3FB0] =	sst s3  }
0xc: {  	[smem:$0x3FB1] =	sst s4  }
0xd: {  	[smem:$0x3FB2] =	sst s5  }
0xe: {  	[smem:$0x3FB3] =	sst s6  }
0xf: {  	[smem:$0x3FB4] =	sst s7  }
0x10: {  	[smem:$0x3FB5] =	sst s8  }
0x11: {  	[smem:$0x3FB6] =	sst s9;
	s0 =	simm.s32 @!p0 $0x0  }
0x12: {  	s1 =	sld [smem:$0x3F9C];
	s0 =	simm.s32 @p0 $0x1  }
0x13: {  	[smem:$0x3FB7] =	sst s0;
	s0 =	simm.s32 @!p1 $0x0  }
0x14: {  	s2 =	sld [smem:$0x3F9B];
	s0 =	simm.s32 @p1 $0x1  }
0x15: {  	[smem:$0x3FB8] =	sst s0;
	s0 =	simm.s32 @!p2 $0x0  }
0x16: {  	s3 =	sld [smem:$0x3FDB];
	s0 =	simm.s32 @p2 $0x1  }
0x17: {  	s4 =	simm.s32 $0x1BF5;
	[smem:$0x3FBA] =	sst s0  }
0x18: {  	s0 =	sld [smem:$0x3F9D];
	_ =	swait.ge [sflag:s4], $0x0  }
0x19: {  	s7 =	sld [smem:$0x3F9E]  }
0x1a: {  	s8 =	sadd.s32 $0xFFFFE003, lr  }
0x1b: {  	s9 =	sadd.s32 $0xFFFFFEF7, lr;
	s5 =	simm.s32 $0xFFFFFFFF;
	p2 =	slt.u32 s8, $0xFFFFF086  }
0x1c: {  	p1 =	slt.u32 s9, $0xF7A;
	s5 =	simm.s32 @!p2 $0x0  }
0x1d: {  	s5 =	simm.s32 @p1 $0x1;
	p0 =	seq.s32 s7, s2  }
0x1e: {  	s7 =	smul.u32 @!p0 $0xF7A, s2;
	p2 =	seq.s32 @!p0 s5, $0x0  }
0x1f: {  	s9 =	smul.u32 $0xF7A, s1;
	s8 =	simm.s32 @!p0 $0x1BF5;
	p2 =	por !p2, p0  }
0x20: {  	[sflag:s8] =	ssyncset.s32 @!p0 $0xFFFFF086;
	s6 =	sadd.s32 @!p0 s3, s7;
	s7 =	simm.s32 @!p0 $0x108  }
0x21: {  	s3 =	sadd.s32 s3, s9;
	s6 =	sadd.s32 @!p0 $0x88, s6;
	s7 =	simm.s32 @p2 $0x1082  }
0x22: {  	[simem:s7], [sflag:s8] =	dma.local @!p0 [hbm:s6], $0xF7A  }
0x23: {  	s9 =	sor.u32 $0xD0000000, s2;
	s6 =	simm.s32 $0x108;
	_ =	swait.ge @!p0 [sflag:s8], $0x0  }
0x24: {  	s3 =	sadd.s32 $0x88, s3;
	s6 =	simm.s32 @!p1 $0x1082;
	[sflag:s4] =	ssyncset.s32 $0xFFFFF086  }
0x25: {  	[simem:s6], [sflag:s4] =	dma.local [hbm:s3], $0xF7A  }
0x26: {  	[smem:$0x3F9E] =	sst s1;
	(tag) =	ssettag s2;
	_ =	strace s9  }
0x27: {  	s1 =	sld [smem:$0x3FAE]  }
0x28: {  	s2 =	sld [smem:$0x3FAF]  }
0x29: {  	s4 =	sld [smem:$0x3FB1]  }
0x2a: {  	p0 =	seq.s32 s5, $0x0;
	s5 =	sld [smem:$0x3FB2]  }
0x2b: {  	s6 =	sld [smem:$0x3FB3]  }
0x2c: {  	s7 =	sld [smem:$0x3FB4]  }
0x2d: {  	s3 =	simm.s32 $0x108;
	s8 =	sld [smem:$0x3FB5]  }
0x2e: {  	s3 =	simm.s32 @!p0 $0x1082;
	s9 =	sld [smem:$0x3FB6]  }
0x2f: {  	lr =	sadd.s32 s0, s3;
	s0 =	sld [smem:$0x3FAD]  }
0x30: {  	s3 =	sld [smem:$0x3FB0]  }
0x31: {  	[smem:$0x3FB9] =	sst s10  }
0x32: {  	s10 =	sld [smem:$0x3FB7];
	_ =	sdelay $0x3  }
0x33: {  	p0 =	seq.s32 s10, $0x1;
	s10 =	sld [smem:$0x3FB9];
	_ =	sdelay $0x3  }
0x34: {  	[smem:$0x3FB9] =	sst s10  }
0x35: {  	s10 =	sld [smem:$0x3FB8];
	_ =	sdelay $0x3  }
0x36: {  	p1 =	seq.s32 s10, $0x1;
	s10 =	sld [smem:$0x3FB9];
	_ =	sdelay $0x3  }
0x37: {  	[smem:$0x3FB9] =	sst s10  }
0x38: {  	s10 =	sld [smem:$0x3FBA]  }
0x39: {  	_ = 	snop;
	(pc) =	sbr.ind lr, $3  }
0x3a: {  	_ = 	snop  }
0x3b: {  	_ = 	snop  }
0x3c: {  	p2 =	seq.s32 s10, $0x1;
	s10 =	sld [smem:$0x3FB9]  }
0x3d: {  	_ =	shalt  }
0x3e: {  	_ =	shalt  }
0x3f: {  	_ =	shalt  }
0x40: {  	_ =	shalt  }
0x41: {  	_ =	shalt  }
0x42: {  	_ =	shalt  }
0x43: {  	_ =	shalt  }
0x44: {  	_ =	shalt  }
0x45: {  	_ =	shalt  }
0x46: {  	_ =	shalt  }
0x47: {  	_ =	shalt  }
0x48: {  	_ =	shalt  }
0x49: {  	_ =	shalt  }
0x4a: {  	_ =	shalt  }
0x4b: {  	_ =	shalt  }
0x4c: {  	_ =	shalt  }
0x4d: {  	_ =	shalt  }
0x4e: {  	_ =	shalt  }
0x4f: {  	_ =	shalt  }
0x50: {  	_ =	shalt  }
0x51: {  	_ =	shalt  }
0x52: {  	_ =	shalt  }
0x53: {  	_ =	shalt  }
0x54: {  	_ =	shalt  }
0x55: {  	_ =	shalt  }
0x56: {  	_ =	shalt  }
0x57: {  	_ =	shalt  }
0x58: {  	_ =	shalt  }
0x59: {  	_ =	shalt  }
0x5a: {  	_ =	shalt  }
0x5b: {  	_ =	shalt  }
0x5c: {  	_ =	shalt  }
0x5d: {  	_ =	shalt  }
0x5e: {  	_ =	shalt  }
0x5f: {  	_ =	shalt  }
0x60: {  	_ =	shalt  }
0x61: {  	_ =	shalt  }
0x62: {  	_ =	shalt  }
0x63: {  	_ =	shalt  }
0x64: {  	_ =	shalt  }
0x65: {  	_ =	shalt  }
0x66: {  	_ =	shalt  }
0x67: {  	_ =	shalt  }
0x68: {  	_ =	shalt  }
0x69: {  	_ =	shalt  }
0x6a: {  	_ =	shalt  }
0x6b: {  	_ =	shalt  }
0x6c: {  	_ =	shalt  }
0x6d: {  	_ =	shalt  }
0x6e: {  	_ =	shalt  }
0x6f: {  	_ =	shalt  }
0x70: {  	_ =	shalt  }
0x71: {  	_ =	shalt  }
0x72: {  	_ =	shalt  }
0x73: {  	_ =	shalt  }
0x74: {  	_ =	shalt  }
0x75: {  	_ =	shalt  }
0x76: {  	_ =	shalt  }
0x77: {  	_ =	shalt  }
0x78: {  	_ =	shalt  }
0x79: {  	_ =	shalt  }
0x7a: {  	_ =	shalt  }
0x7b: {  	_ =	shalt  }
0x7c: {  	_ =	shalt  }
0x7d: {  	_ =	shalt  }
0x7e: {  	_ =	shalt  }
0x7f: {  	_ =	shalt  }
0x80: {  	_ =	shalt  }
0x81: {  	_ =	shalt  }
0x82: {  	_ =	shalt  }
0x83: {  	_ =	shalt  }
0x84: {  	_ =	shalt  }
0x85: {  	_ =	shalt  }
0x86: {  	_ =	shalt  }
0x87: {  	_ =	shalt  }
.Lfunc_end0:
.L_simem_size_0:
called_computation_lowered:
.L_overlay_start_0:
0x88: {  	s2 =	sld [smem:$0x3FD9]  }
0x89: {  	s3 =	sld [smem:$0x3FFE];
	_ =	sdelay $0x1  }
0x8a: {  	s1 =	srdreg.scid  }
0x8b: {  	s0 =	sand.u32 $0x1, s1  }
0x8c: {  	s18 =	sshll.u32 s0, $0xA;
	s2 =	sadd.s32 s3, s2  }
0x8d: {  	s2 =	sadd.s32 s2, s18  }
0x8e: {  	[smem:$0x3FC5] =	sst s2  }
0x8f: {  	_ = 	snop  }
0x90: {  	s2 =	sld [smem:$0x3FC9]  }
0x91: {  	s19 =	sld [smem:$0x3FC8]  }
0x92: {  	s4 =	sld [smem:$0x3FC7]  }
0x93: {  	s5 =	sld [smem:$0x3FD0];
	(tm) =	ssettm $0x1  }
0x94: {  	s6 =	sld [smem:$0x3FFB];
	_ =	sdelay $0x3  }
0x95: {  	_ =	strace s6  }
0x96: {  	s6 =	sld [smem:$0x3FFC];
	_ =	sdelay $0x3  }
0x97: {  	_ =	strace s6  }
0x98: {  	s6 =	sld [smem:$0x3FFD];
	_ =	sdelay $0x3  }
0x99: {  	_ =	strace s6  }
0x9a: {  	_ =	strace $0x8FFFFFFF  }
0x9b: {  	s20 =	sld [smem:$0x3FDB];
	_ =	sdelay $0x1  }
0x9c: {  	s7 =	simm.s32 $_scs_section_size  }
0x9d: {  	s8 =	simm.s32 $_size__tile_overlayer_lowered;
	s9 =	simm.s32 $_tile_overlayer_lowered  }
0x9e: {  	s23 =	simm.s32 $0x1BFF;
	s22 =	sshll.u32 s9, $0x1;
	s6 =	sadd.s32 s7, s20  }
0x9f: {  	s10 =	simm.s32 $0x0;
	s21 =	sshll.u32 s8, $0x1;
	s8 =	sadd.s32 s22, s6  }
0xa0: {  	[timem:s10], [sflag:s23] =	dma.local [hbm:s8], s21  }
0xa1: {  	_ =	swait.ge [sflag:s23], s21  }
0xa2: {  	s7 =	ssub.s32 $0x0, s21;
	[sflag:s23] =	ssyncset.done $0x0  }
0xa3: {  	[sflag:s23] =	ssyncadd.s32 s7;
	_ =	sdelay $0x1  }
0xa4: {  	s24 =	simm.s32 $0x1B8B  }
0xa5: {  	_ =	swait.ge [sflag:s24], $0x1  }
0xa6: {  	[sflag:s24] =	ssyncset.done $0x0  }
0xa7: {  	s25 =	simm.s32 $0x1B8E;
	[sflag:s24] =	ssyncadd.s32 $0xFFFFFFFF  }
0xa8: {  	s26 =	simm.s32 $execute0_lowered;
	[smem:$0x3FD2] =	sst s25  }
0xa9: {  	s7 =	sshll.u32 s26, $0x1;
	_ =	strace $0x80000046;
	[dreg:$0x1] =	wrdreg $0xFFFFFFFF  }
0xaa: {  	s28 =	simm.s32 $_size_execute0_lowered;
	s6 =	sadd.s32 s6, s7;
	[dreg:$0x0] =	wrdreg $0x0  }
0xab: {  	s7 =	sshll.u32 s28, $0x1;
	[dreg:$0x2] =	wrdreg s6  }
0xac: {  	[dreg:$0x3] =	wrdreg s7  }
0xad: {  	[dreg:$0x4] =	wrdreg $0xC0  }
0xae: {  	_ =	task [dreg:s10], $0x5FFFF  }
0xaf: {  	[dreg:$0x1] =	wrdreg $0xFFFFFFFF  }
0xb0: {  	[dreg:$0x0] =	wrdreg $0x60  }
0xb1: {  	[dreg:$0x2] =	wrdreg s2  }
0xb2: {  	[dreg:$0x3] =	wrdreg s19  }
0xb3: {  	[dreg:$0x4] =	wrdreg s4  }
0xb4: {  	[dreg:$0x5] =	wrdreg s5  }
0xb5: {  	[dreg:$0x6] =	wrdreg $0x1E7000  }
0xb6: {  	[dreg:$0x7] =	wrdreg $0x9  }
0xb7: {  	_ =	task.clear_ibuf [dreg:s10], $0x8FFFF;
	_ =	strace $0x90000046  }
0xb8: {  	s29 =	simm.s32 $0x9;
	_ =	strace $0x80000048  }
0xb9: {  	_ =	swait.ge [sflag:s29], $0x1  }
0xba: {  	[sflag:s29] =	ssyncadd.s32 $0xFFFFFFFF  }
0xbb: {  	_ =	strace $0x90000048  }
0xbc: {  	_ =	sfence  }
0xbd: {  	s30 =	sld [smem:$0x0];
	_ =	sdelay $0x2  }
0xbe: {  	s31 =	sshll.u32 s1, $0xD;
	s1 =	sshrl.u32 s1, $0x2  }
0xbf: {  	s3 =	sand.u32 $0x4000, s31;
	s1 =	sadd.s32 s1, s30  }
0xc0: {  	s0 =	sor.u32 s3, s0;
	s1 =	sshll.u32 s1, $0x11  }
0xc1: {  	s0 =	sor.u32 s1, s0  }
0xc2: {  	s0 =	sadd.s32 $0x8F2B, s0  }
0xc3: {  	[sflag:s0] =	ssyncadd.remote.s32 $0x1  }
0xc4: {  	_ =	sfence.sel $0xFFFF  }
0xc5: {  	[dreg:$0x0] =	wrdreg $0xFFFFFFFF;
	(pc) =	sbr.abs _section_cstart, $3  }
0xc6: {  	[dreg:$0x1] =	wrdreg $0xFFFFFFFF  }
0xc7: {  	_ =	task.clear_ibuf [dreg:s10], $0x2FFFF;
	_ =	strace $0x9FFFFFFF  }
0xc8: {  	(tm) =	ssettm $0x7FFFFFFF  }
0xc9: {  	_ =	shalt  }
tec
execute0_lowered:
.L_overlay_start_1:
0x0: {  	(tag) =	ssettag $0x1  }
0x1: {  	s1 =	rddreg [dreg:$0x0]  }
0x2: {  	s2 =	rddreg [dreg:$0x1]  }
0x3: {  	s0 =	rddreg [dreg:$0x3]  }
0x4: {  	s5 =	rddreg [dreg:$0x4];
	s6 =	simm.s32 $0x0;
	s3 =	srdreg.scid  }
0x5: {  	s12 =	stileid.u32;
	s19 =	simm.s32 $0x5;
	s20 =	simm.s32 $0x80  }
0x6: {  	s21 =	simm.s32 $0x100;
	s28 =	simm.s32 $0x1B700;
	s29 =	simm.s32 $0x1C700  }
0x7: {  	s30 =	simm.s32 $0x1D700;
	s31 =	simm.s32 $0x4;
	[smem:$0x7FF] =	sst s6  }
0x8: {  	s3 =	sand.u32 $0x1, s3;
	s4 =	sshll.u32 s12, $0x1;
	s11 =	smul.u32 $0x1900, s12  }
0x9: {  	p0 =	slt.u32 s12, $0x5;
	s12 =	simm.s32 $0x8;
	_ =	strace $0x80000047  }
0xa: {  	s7 =	ssub.s32 $0x2, s3;
	s4 =	sor.u32 s3, s4;
	s3 =	smul.u32 $0x19000, s3  }
0xb: {  	s12 =	simm.s32 @!p0 $0x0;
	s8 =	sshrl.u32 s7, $0x1;
	s9 =	smul.u32 $0x618, s4  }
0xc: {  	s4 =	smin.u32 s4, $0xA;
	s24 =	sxor.u32 $0x8, s12;
	s25 =	sshll.u32 s12, $0x9  }
0xd: {  	s10 =	ssub.s32 s7, s8;
	s4 =	sshll.u32 s4, $0x3;
	s8 =	sadd.s32 s11, s5  }
0xe: {  	s3 =	sadd.s32 s11, s3;
	s18 =	ssub.s32 $0x0, s25;
	s25 =	simm.s32 $0x3  }
0xf: {  	s7 =	sadd.s32 s9, s4;
	s9 =	sadd.s32 $0x10, s1;
	s3 =	sshrl.u32 s3, $0x3  }
0x10: {  	s17 =	smax.u32 s10, $0x1;
	s4 =	sshll.u32 s7, $0x5;
	s0 =	sadd.s32 s0, s3  }
0x11: {  	s13 =	sshll.u32 s7, $0x4;
	s14 =	sadd.s32 s1, s4;
	[dreg:$0x9] =	wrdreg s0  }
0x12: {  	s23 =	sadd.s32 s7, s12;
	s4 =	sadd.s32 s4, s9;
	[dreg:$0x6] =	wrdreg s14  }
0x13: {  	s3 =	simm.s32 $0x2;
	s22 =	sadd.s32 s2, s13;
	[dreg:$0x7] =	wrdreg s4  }
0x14: {  	s13 =	sadd.s32 $0x40, s7;
	s0 =	simm.s32 $0x1;
	[dreg:$0x8] =	wrdreg s22  }
0x15: {  	s14 =	sadd.s32 $0x5F8, s23;
	s4 =	sshll.u32 s24, $0x3;
	s22 =	simm.s32 $0x18700  }
0x16: {  	s23 =	simm.s32 $0x19700;
	s24 =	simm.s32 $0x1A700;
	s26 =	smax.u32 s4, $0x1  }
0x17: {  	v0 =	vimm.f32 $0.0e+00;
	s4 =	simm.s32 $0x0;
	[dreg:$0xa] =	wrdreg s26;
	s26 =	simm.s32 $0x1000  }
.LBB2_1:
0x18: {  	s10 =	simm.s32 $0x40;
	s11 =	simm.s32 $0x0  }
.LBB2_2:
0x19: {  	p1 =	sne.s32 s10, $0x63C0;
	[tilespmem:s11+$0x0] =	vst v0;
	s11 =	smov.u32 s10;
	s10 =	sadd.s32 $0x40, s10  }
.Ltmp0:
0x1a: {  	(pc) =	sbr.rel @p1 .LBB2_2-.Ltmp0, $2  }
0x1b: {  	_ =	sdelay $0x2  }
0x1c: {  	s11 =	sshra.s32 s11, $0x2  }
0x1d: {  	[tilespmem:s11+$0x0] =	vst v0;
	s10 =	simm.s32 $0x0  }
0x1e: {  	[spmem:s8] =	stream.linear.scatter [tilespmem:s10], [sflag:$0x5], $0x1900, $0x38;
	v63 =	vld [tilespmem:$0x0]  }
0x1f: {  	_ =	swait.ge [sflag:s19], $0x1900  }
0x20: {  	[sflag:s19] =	ssyncset.done $0x0  }
0x21: {  	[sflag:s19] =	ssyncadd.s32 $0xFFFFE700  }
0x22: {  	s16 =	rddreg [dreg:$0x2]  }
0x23: {  	[tilespmem:s10], [sflag:$0x5] =	stream.linear.gather [hbm4b:s16+s10], $0x18700, $0x38;
	v63 =	vld [tilespmem:$0x0]  }
0x24: {  	_ =	swait.ge [sflag:s19], $0x18700  }
0x25: {  	[sflag:s19] =	ssyncset.done $0x0  }
0x26: {  	[sflag:s19] =	ssyncadd.s32 $0xFFFE7900  }
0x27: {  	[bflag:$0x0] =	sbarrier.arrive $0xFFFF  }
0x28: {  	s12 =	rddreg [dreg:$0x6]  }
0x29: {  	[tilespmem:s22], [sflag:$0x3] =	stream.strided.gather [hbm4b:s12+s20], $0x1000, s21, s20, $0x38;
	v63 =	vld [tilespmem:$0x0]  }
0x2a: {  	s15 =	rddreg [dreg:$0x7]  }
0x2b: {  	[tilespmem:s23], [sflag:$0x3] =	stream.strided.gather [hbm4b:s15+s20], $0x1000, s21, s20, $0x38;
	v63 =	vld [tilespmem:$0x0]  }
0x2c: {  	s16 =	rddreg [dreg:$0x8]  }
0x2d: {  	[tilespmem:s24], [sflag:$0x3] =	stream.linear.gather [hbm4b:s16+s10], $0x1000, $0x38;
	v63 =	vld [tilespmem:$0x0]  }
.LBB2_4:
0x2e: {  	_ =	swait.ge [sflag:s25], $0x1000  }
0x2f: {  	[sflag:s25] =	ssyncset.done $0x0  }
0x30: {  	[sflag:s25] =	ssyncadd.s32 $0xFFFFF000  }
0x31: {  	_ =	swait.ge [sflag:s25], $0x1000  }
0x32: {  	[sflag:s25] =	ssyncset.done $0x0  }
0x33: {  	[sflag:s25] =	ssyncadd.s32 $0xFFFFF000  }
0x34: {  	_ =	swait.ge [sflag:s25], $0x1000  }
0x35: {  	[sflag:s25] =	ssyncset.done $0x0  }
0x36: {  	s11 =	simm.s32 $0x0;
	[sflag:s25] =	ssyncadd.s32 $0xFFFFF000  }
0x37: {  	v5 =	vld [tilespmem:s11+$0x18770]  }
0x38: {  	v6 =	vld [tilespmem:s11+$0x18730]  }
0x39: {  	v7 =	vld [tilespmem:s11+$0x18710]  }
0x3a: {  	v1 =	vld [tilespmem:s11+$0x1A740]  }
0x3b: {  	v8 =	vld [tilespmem:s11+$0x18760]  }
0x3c: {  	v3 =	vld [tilespmem:s11+$0x1A750]  }
0x3d: {  	v12 =	vld [tilespmem:s11+$0x18720]  }
0x3e: {  	v2 =	vld [tilespmem:s11+$0x1A700]  }
0x3f: {  	v14 =	vld [tilespmem:s11+$0x1A770]  }
0x40: {  	v9 =	vld [tilespmem:s11+$0x18750]  }
0x41: {  	v10 =	vld [tilespmem:s11+$0x18740]  }
0x42: {  	v13 =	vld [tilespmem:s11+$0x18700]  }
0x43: {  	v15 =	vld [tilespmem:s11+$0x1A760]  }
0x44: {  	v4 =	vld [tilespmem:s11+$0x1A730]  }
0x45: {  	v16 =	vld.idx.msk [tilespmem:v5+s6+$0x0], $0xffff  }
0x46: {  	v17 =	vld.idx.msk [tilespmem:v8+s6+$0x0], $0xffff  }
0x47: {  	v5 =	vld.idx.msk [tilespmem:v6+s6+$0x0], $0xffff  }
0x48: {  	v11 =	vld.idx.msk [tilespmem:v9+s6+$0x0], $0xffff  }
0x49: {  	v10 =	vld.idx.msk [tilespmem:v10+s6+$0x0], $0xffff  }
0x4a: {  	v9 =	vld.idx.msk [tilespmem:v13+s6+$0x0], $0xffff  }
0x4b: {  	v7 =	vld.idx.msk [tilespmem:v7+s6+$0x0], $0xffff  }
0x4c: {  	v8 =	vld [tilespmem:s11+$0x1A710];
	v13 =	vmul.f32 v15, v17  }
0x4d: {  	s12 =	simm.s32 $0x200;
	v6 =	vld.idx.msk [tilespmem:v12+s6+$0x0], $0xffff;
	v12 =	vmul.f32 v14, v16  }
.LBB2_5:
0x4e: {  	s15 =	sshra.s32 s12, $0x2;
	p1 =	sne.s32 s12, $0x3E00;
	s12 =	sadd.s32 $0x200, s12;
	v14 =	vld [tilespmem:s11+$0x1A720];
	v3 =	vmul.f32 v3, v11;
	[tilespmem:s11+$0x1A760] =	vst v13  }
0x4f: {  	v1 =	vmul.f32 v1, v10;
	v11 =	vld [tilespmem:s15+$0x18770];
	[tilespmem:s11+$0x1A770] =	vst v12  }
0x50: {  	v4 =	vmul.f32 v4, v5;
	v2 =	vmul.f32 v2, v9;
	v10 =	vld [tilespmem:s15+$0x18730];
	[tilespmem:s11+$0x1A750] =	vst v3  }
0x51: {  	v12 =	vld [tilespmem:s15+$0x18710];
	v3 =	vmul.f32 v8, v7;
	[tilespmem:s11+$0x1A740] =	vst v1  }
0x52: {  	v1 =	vld [tilespmem:s15+$0x1A740];
	[tilespmem:s11+$0x1A700] =	vst v2  }
0x53: {  	v5 =	vld [tilespmem:s15+$0x18760];
	[tilespmem:s11+$0x1A710] =	vst v3;
	v2 =	vmul.f32 v14, v6  }
0x54: {  	v3 =	vld [tilespmem:s15+$0x1A750];
	[tilespmem:s11+$0x1A730] =	vst v4  }
0x55: {  	v6 =	vld [tilespmem:s15+$0x18720];
	[tilespmem:s11+$0x1A720] =	vst v2;
	s11 =	smov.u32 s15  }
0x56: {  	v2 =	vld [tilespmem:s11+$0x1A700]  }
0x57: {  	v14 =	vld [tilespmem:s11+$0x1A770]  }
0x58: {  	v7 =	vld [tilespmem:s11+$0x18750]  }
0x59: {  	v8 =	vld [tilespmem:s11+$0x18740]  }
0x5a: {  	v9 =	vld [tilespmem:s11+$0x18700]  }
0x5b: {  	v13 =	vld [tilespmem:s11+$0x1A760]  }
0x5c: {  	v4 =	vld [tilespmem:s11+$0x1A730]  }
0x5d: {  	v15 =	vld.idx.msk [tilespmem:v11+s6+$0x0], $0xffff  }
0x5e: {  	v16 =	vld.idx.msk [tilespmem:v5+s6+$0x0], $0xffff  }
0x5f: {  	v5 =	vld.idx.msk [tilespmem:v10+s6+$0x0], $0xffff  }
0x60: {  	v11 =	vld.idx.msk [tilespmem:v7+s6+$0x0], $0xffff  }
.Ltmp1:
0x61: {  	v10 =	vld.idx.msk [tilespmem:v8+s6+$0x0], $0xffff;
	(pc) =	sbr.rel @p1 .LBB2_5-.Ltmp1, $4  }
0x62: {  	v9 =	vld.idx.msk [tilespmem:v9+s6+$0x0], $0xffff  }
0x63: {  	v7 =	vld.idx.msk [tilespmem:v12+s6+$0x0], $0xffff  }
0x64: {  	v13 =	vmul.f32 v13, v16;
	v8 =	vld [tilespmem:s11+$0x1A710]  }
0x65: {  	v12 =	vmul.f32 v14, v15;
	v6 =	vld.idx.msk [tilespmem:v6+s6+$0x0], $0xffff  }
0x66: {  	v14 =	vld [tilespmem:s11+$0x1A720];
	v3 =	vmul.f32 v3, v11;
	[tilespmem:s11+$0x1A760] =	vst v13  }
0x67: {  	v1 =	vmul.f32 v1, v10;
	[tilespmem:s11+$0x1A770] =	vst v12  }
0x68: {  	v2 =	vmul.f32 v2, v9;
	[tilespmem:s11+$0x1A750] =	vst v3  }
0x69: {  	[tilespmem:s11+$0x1A740] =	vst v1;
	v1 =	vmul.f32 v4, v5  }
0x6a: {  	v3 =	vmul.f32 v8, v7;
	[tilespmem:s11+$0x1A700] =	vst v2  }
0x6b: {  	[tilespmem:s11+$0x1A730] =	vst v1;
	v2 =	vmul.f32 v14, v6  }
0x6c: {  	[tilespmem:s11+$0x1A710] =	vst v3  }
0x6d: {  	p1 =	seq.s32 s10, $0x0;
	[tilespmem:s11+$0x1A720] =	vst v2;
	s11 =	sshll.u32 s10, $0x6  }
0x6e: {  	[spmem:s5] =	stream.indirect.scatter.add.f32 [tilespmem:s24], [sflag:$0x1], $0x1, s23, s26, $0xb8;
	v63 =	vld [tilespmem:$0x0]  }
0x6f: {  	s12 =	simm.s32 @!p1 $0x2;
	s15 =	sadd.s32 s11, s7  }
0x70: {  	_ =	swait.ge @!p1 [sflag:s12], $0x1000;
	s15 =	sadd.s32 $0x20, s15  }
0x71: {  	[sflag:s12] =	ssyncset.done @!p1 $0x0;
	s16 =	sshll.u32 s15, $0x5  }
0x72: {  	s15 =	sshll.u32 s15, $0x4;
	[sflag:s12] =	ssyncadd.s32 @!p1 $0xFFFFF000;
	s12 =	sadd.s32 s1, s16  }
0x73: {  	[tilespmem:s28], [sflag:$0x4] =	stream.strided.gather [hbm4b:s12+s20], $0x1000, s21, s20, $0x38;
	v63 =	vld [tilespmem:$0x0]  }
0x74: {  	s16 =	sadd.s32 s16, s9;
	s12 =	sand.u32 $0x1FFFFF80, s15  }
0x75: {  	[tilespmem:s29], [sflag:$0x4] =	stream.strided.gather [hbm4b:s16+s20], $0x1000, s21, s20, $0x38;
	v63 =	vld [tilespmem:$0x0]  }
0x76: {  	s12 =	sadd.s32 s2, s12;
	s16 =	simm.s32 $0x0  }
0x77: {  	[tilespmem:s30], [sflag:$0x4] =	stream.linear.gather [hbm4b:s12+s16], $0x1000, $0x38;
	v63 =	vld [tilespmem:$0x0]  }
0x78: {  	_ =	swait.ge [sflag:s31], $0x1000  }
0x79: {  	[sflag:s31] =	ssyncset.done $0x0  }
0x7a: {  	[sflag:s31] =	ssyncadd.s32 $0xFFFFF000  }
0x7b: {  	_ =	swait.ge [sflag:s31], $0x1000  }
0x7c: {  	[sflag:s31] =	ssyncset.done $0x0  }
0x7d: {  	[sflag:s31] =	ssyncadd.s32 $0xFFFFF000  }
0x7e: {  	_ =	swait.ge [sflag:s31], $0x1000  }
0x7f: {  	[sflag:s31] =	ssyncset.done $0x0  }
0x80: {  	s12 =	simm.s32 $0x0;
	[sflag:s31] =	ssyncadd.s32 $0xFFFFF000  }
0x81: {  	v5 =	vld [tilespmem:s12+$0x1B770]  }
0x82: {  	v6 =	vld [tilespmem:s12+$0x1B730]  }
0x83: {  	v7 =	vld [tilespmem:s12+$0x1B710]  }
0x84: {  	v1 =	vld [tilespmem:s12+$0x1D740]  }
0x85: {  	v8 =	vld [tilespmem:s12+$0x1B760]  }
0x86: {  	v3 =	vld [tilespmem:s12+$0x1D750]  }
0x87: {  	v12 =	vld [tilespmem:s12+$0x1B720]  }
0x88: {  	v2 =	vld [tilespmem:s12+$0x1D700]  }
0x89: {  	v14 =	vld [tilespmem:s12+$0x1D770]  }
0x8a: {  	v9 =	vld [tilespmem:s12+$0x1B750]  }
0x8b: {  	v10 =	vld [tilespmem:s12+$0x1B740]  }
0x8c: {  	v13 =	vld [tilespmem:s12+$0x1B700]  }
0x8d: {  	v15 =	vld [tilespmem:s12+$0x1D760]  }
0x8e: {  	v4 =	vld [tilespmem:s12+$0x1D730]  }
0x8f: {  	v16 =	vld.idx.msk [tilespmem:v5+s6+$0x0], $0xffff  }
0x90: {  	v17 =	vld.idx.msk [tilespmem:v8+s6+$0x0], $0xffff  }
0x91: {  	v5 =	vld.idx.msk [tilespmem:v6+s6+$0x0], $0xffff  }
0x92: {  	v11 =	vld.idx.msk [tilespmem:v9+s6+$0x0], $0xffff  }
0x93: {  	v10 =	vld.idx.msk [tilespmem:v10+s6+$0x0], $0xffff  }
0x94: {  	v9 =	vld.idx.msk [tilespmem:v13+s6+$0x0], $0xffff  }
0x95: {  	v7 =	vld.idx.msk [tilespmem:v7+s6+$0x0], $0xffff  }
0x96: {  	v8 =	vld [tilespmem:s12+$0x1D710];
	v13 =	vmul.f32 v15, v17  }
0x97: {  	s15 =	simm.s32 $0x200;
	v6 =	vld.idx.msk [tilespmem:v12+s6+$0x0], $0xffff;
	v12 =	vmul.f32 v14, v16  }
.LBB2_7:
0x98: {  	s16 =	sshra.s32 s15, $0x2;
	p1 =	sne.s32 s15, $0x3E00;
	s15 =	sadd.s32 $0x200, s15;
	v14 =	vld [tilespmem:s12+$0x1D720];
	v3 =	vmul.f32 v3, v11;
	[tilespmem:s12+$0x1D760] =	vst v13  }
0x99: {  	v1 =	vmul.f32 v1, v10;
	v11 =	vld [tilespmem:s16+$0x1B770];
	[tilespmem:s12+$0x1D770] =	vst v12  }
0x9a: {  	v4 =	vmul.f32 v4, v5;
	v2 =	vmul.f32 v2, v9;
	v10 =	vld [tilespmem:s16+$0x1B730];
	[tilespmem:s12+$0x1D750] =	vst v3  }
0x9b: {  	v12 =	vld [tilespmem:s16+$0x1B710];
	v3 =	vmul.f32 v8, v7;
	[tilespmem:s12+$0x1D740] =	vst v1  }
0x9c: {  	v1 =	vld [tilespmem:s16+$0x1D740];
	[tilespmem:s12+$0x1D700] =	vst v2  }
0x9d: {  	v5 =	vld [tilespmem:s16+$0x1B760];
	[tilespmem:s12+$0x1D710] =	vst v3;
	v2 =	vmul.f32 v14, v6  }
0x9e: {  	v3 =	vld [tilespmem:s16+$0x1D750];
	[tilespmem:s12+$0x1D730] =	vst v4  }
0x9f: {  	v6 =	vld [tilespmem:s16+$0x1B720];
	[tilespmem:s12+$0x1D720] =	vst v2;
	s12 =	smov.u32 s16  }
0xa0: {  	v2 =	vld [tilespmem:s12+$0x1D700]  }
0xa1: {  	v14 =	vld [tilespmem:s12+$0x1D770]  }
0xa2: {  	v7 =	vld [tilespmem:s12+$0x1B750]  }
0xa3: {  	v8 =	vld [tilespmem:s12+$0x1B740]  }
0xa4: {  	v9 =	vld [tilespmem:s12+$0x1B700]  }
0xa5: {  	v13 =	vld [tilespmem:s12+$0x1D760]  }
0xa6: {  	v4 =	vld [tilespmem:s12+$0x1D730]  }
0xa7: {  	v15 =	vld.idx.msk [tilespmem:v11+s6+$0x0], $0xffff  }
0xa8: {  	v16 =	vld.idx.msk [tilespmem:v5+s6+$0x0], $0xffff  }
0xa9: {  	v5 =	vld.idx.msk [tilespmem:v10+s6+$0x0], $0xffff  }
0xaa: {  	v11 =	vld.idx.msk [tilespmem:v7+s6+$0x0], $0xffff  }
.Ltmp2:
0xab: {  	v10 =	vld.idx.msk [tilespmem:v8+s6+$0x0], $0xffff;
	(pc) =	sbr.rel @p1 .LBB2_7-.Ltmp2, $4  }
0xac: {  	v9 =	vld.idx.msk [tilespmem:v9+s6+$0x0], $0xffff  }
0xad: {  	v7 =	vld.idx.msk [tilespmem:v12+s6+$0x0], $0xffff  }
0xae: {  	v13 =	vmul.f32 v13, v16;
	v8 =	vld [tilespmem:s12+$0x1D710]  }
0xaf: {  	v12 =	vmul.f32 v14, v15;
	v6 =	vld.idx.msk [tilespmem:v6+s6+$0x0], $0xffff  }
0xb0: {  	v14 =	vld [tilespmem:s12+$0x1D720];
	v3 =	vmul.f32 v3, v11;
	[tilespmem:s12+$0x1D760] =	vst v13  }
0xb1: {  	v1 =	vmul.f32 v1, v10;
	[tilespmem:s12+$0x1D770] =	vst v12  }
0xb2: {  	v2 =	vmul.f32 v2, v9;
	[tilespmem:s12+$0x1D750] =	vst v3  }
0xb3: {  	[tilespmem:s12+$0x1D740] =	vst v1;
	v1 =	vmul.f32 v4, v5  }
0xb4: {  	v3 =	vmul.f32 v8, v7;
	[tilespmem:s12+$0x1D700] =	vst v2  }
0xb5: {  	[tilespmem:s12+$0x1D730] =	vst v1;
	v2 =	vmul.f32 v14, v6  }
0xb6: {  	s11 =	sadd.s32 s11, s13;
	[tilespmem:s12+$0x1D710] =	vst v3  }
0xb7: {  	p1 =	slt.s32 s11, s14;
	[tilespmem:s12+$0x1D720] =	vst v2;
	s12 =	smov.u32 s14  }
0xb8: {  	[spmem:s5] =	stream.indirect.scatter.add.f32 [tilespmem:s30], [sflag:$0x2], $0x1, s29, s26, $0xb8;
	v63 =	vld [tilespmem:$0x0]  }
0xb9: {  	s12 =	smov.u32 @p1 s11  }
0xba: {  	_ =	swait.ge [sflag:s0], $0x1000;
	s11 =	sshll.u32 s12, $0x5  }
0xbb: {  	s10 =	sadd.s32 $0x1, s10;
	[sflag:s0] =	ssyncset.done $0x0;
	s11 =	sand.u32 $0x1FFFFF00, s11  }
0xbc: {  	p1 =	sne.s32 s10, $0x18;
	[sflag:s0] =	ssyncadd.s32 $0xFFFFF000;
	s15 =	sadd.s32 s1, s11  }
0xbd: {  	[tilespmem:s22], [sflag:$0x3] =	stream.strided.gather [hbm4b:s15+s20], $0x1000, s21, s20, $0x38;
	v63 =	vld [tilespmem:$0x0]  }
.Ltmp3:
0xbe: {  	s12 =	sand.u32 $0x1FFFFF8, s12;
	(pc) =	sbr.rel @p1 .LBB2_4-.Ltmp3, $4  }
0xbf: {  	s16 =	sshll.u32 s12, $0x4;
	s11 =	sadd.s32 s11, s9  }
0xc0: {  	[tilespmem:s23], [sflag:$0x3] =	stream.strided.gather [hbm4b:s11+s20], $0x1000, s21, s20, $0x38;
	v63 =	vld [tilespmem:$0x0]  }
0xc1: {  	s11 =	sadd.s32 s2, s16  }
0xc2: {  	[tilespmem:s24], [sflag:$0x3] =	stream.linear.gather [hbm4b:s11+s6], $0x1000, $0x38;
	v63 =	vld [tilespmem:$0x0]  }
0xc3: {  	_ =	swait.ge [sflag:s25], $0x1000  }
0xc4: {  	[sflag:s25] =	ssyncset.done $0x0  }
0xc5: {  	[sflag:s25] =	ssyncadd.s32 $0xFFFFF000  }
0xc6: {  	_ =	swait.ge [sflag:s25], $0x1000  }
.Ltmp4:
0xc7: {  	[sflag:s25] =	ssyncset.done $0x0;
	(pc) =	sbr.rel @p0 .LBB2_12-.Ltmp4, $4  }
0xc8: {  	[sflag:s25] =	ssyncadd.s32 $0xFFFFF000  }
0xc9: {  	_ =	swait.ge [sflag:s25], $0x1000  }
0xca: {  	[sflag:s25] =	ssyncset.done $0x0  }
0xcb: {  	s10 =	simm.s32 $0x1A700;
	[sflag:s25] =	ssyncadd.s32 $0xFFFFF000  }
0xcc: {  	s11 =	rddreg [dreg:$0xa]  }
0xcd: {  	p1 =	sne.s32 s11, $0x1  }
.Ltmp5:
0xce: {  	_ = 	snop;
	(pc) =	sbr.rel @!p1 .LBB2_12-.Ltmp5, $2  }
0xcf: {  	_ =	sdelay $0x2  }
0xd0: {  	[tilespmem:s10+$0x0] =	vst v0;
	s11 =	sadd.s32 $0xFFFFFFFF, s11  }
.LBB2_11:
0xd1: {  	p1 =	sne.s32 s11, $0x1  }
.Ltmp6:
0xd2: {  	_ = 	snop;
	(pc) =	sbr.rel @p1 .LBB2_11-.Ltmp6, $3  }
0xd3: {  	_ =	sdelay $0x1  }
0xd4: {  	s11 =	sadd.s32 $0xFFFFFFFF, s11;
	s10 =	sadd.s32 $0x10, s10  }
0xd5: {  	[tilespmem:s10+$0x0] =	vst v0  }
.LBB2_12:
0xd6: {  	s10 =	sshra.s32 s18, $0x2  }
0xd7: {  	v5 =	vld [tilespmem:s10+$0x18B70]  }
0xd8: {  	v6 =	vld [tilespmem:s10+$0x18B30]  }
0xd9: {  	v7 =	vld [tilespmem:s10+$0x18B10]  }
0xda: {  	v1 =	vld [tilespmem:s10+$0x1AB40]  }
0xdb: {  	v8 =	vld [tilespmem:s10+$0x18B60]  }
0xdc: {  	v3 =	vld [tilespmem:s10+$0x1AB50]  }
0xdd: {  	v12 =	vld [tilespmem:s10+$0x18B20]  }
0xde: {  	v2 =	vld [tilespmem:s10+$0x1AB00]  }
0xdf: {  	v14 =	vld [tilespmem:s10+$0x1AB70]  }
0xe0: {  	v9 =	vld [tilespmem:s10+$0x18B50]  }
0xe1: {  	v10 =	vld [tilespmem:s10+$0x18B40]  }
0xe2: {  	v13 =	vld [tilespmem:s10+$0x18B00]  }
0xe3: {  	v15 =	vld [tilespmem:s10+$0x1AB60]  }
0xe4: {  	v4 =	vld [tilespmem:s10+$0x1AB30]  }
0xe5: {  	v16 =	vld.idx.msk [tilespmem:v5+s6+$0x0], $0xffff  }
0xe6: {  	v17 =	vld.idx.msk [tilespmem:v8+s6+$0x0], $0xffff  }
0xe7: {  	v5 =	vld.idx.msk [tilespmem:v6+s6+$0x0], $0xffff  }
0xe8: {  	p1 =	sne.s32 s18, $0x2E00;
	v11 =	vld.idx.msk [tilespmem:v9+s6+$0x0], $0xffff  }
.Ltmp7:
0xe9: {  	v10 =	vld.idx.msk [tilespmem:v10+s6+$0x0], $0xffff;
	(pc) =	sbr.rel @!p1 .LBB2_14-.Ltmp7, $4  }
0xea: {  	v8 =	vld.idx.msk [tilespmem:v13+s6+$0x0], $0xffff  }
0xeb: {  	v7 =	vld.idx.msk [tilespmem:v7+s6+$0x0], $0xffff  }
0xec: {  	v9 =	vld [tilespmem:s10+$0x1AB10];
	v13 =	vmul.f32 v15, v17  }
0xed: {  	s11 =	sadd.s32 $0x200, s18;
	v6 =	vld.idx.msk [tilespmem:v12+s6+$0x0], $0xffff;
	v12 =	vmul.f32 v14, v16  }
.LBB2_13:
0xee: {  	s12 =	sshra.s32 s11, $0x2;
	p1 =	sne.s32 s11, $0x2E00;
	s11 =	sadd.s32 $0x200, s11;
	v14 =	vld [tilespmem:s10+$0x1AB20];
	v3 =	vmul.f32 v3, v11;
	[tilespmem:s10+$0x1AB60] =	vst v13  }
0xef: {  	v1 =	vmul.f32 v1, v10;
	v11 =	vld [tilespmem:s12+$0x18B70];
	[tilespmem:s10+$0x1AB70] =	vst v12  }
0xf0: {  	v4 =	vmul.f32 v4, v5;
	v2 =	vmul.f32 v2, v8;
	v10 =	vld [tilespmem:s12+$0x18B30];
	[tilespmem:s10+$0x1AB50] =	vst v3  }
0xf1: {  	v12 =	vld [tilespmem:s12+$0x18B10];
	v3 =	vmul.f32 v9, v7;
	[tilespmem:s10+$0x1AB40] =	vst v1  }
0xf2: {  	v1 =	vld [tilespmem:s12+$0x1AB40];
	[tilespmem:s10+$0x1AB00] =	vst v2  }
0xf3: {  	v5 =	vld [tilespmem:s12+$0x18B60];
	[tilespmem:s10+$0x1AB10] =	vst v3;
	v2 =	vmul.f32 v14, v6  }
0xf4: {  	v3 =	vld [tilespmem:s12+$0x1AB50];
	[tilespmem:s10+$0x1AB30] =	vst v4  }
0xf5: {  	v6 =	vld [tilespmem:s12+$0x18B20];
	[tilespmem:s10+$0x1AB20] =	vst v2;
	s10 =	smov.u32 s12  }
0xf6: {  	v2 =	vld [tilespmem:s10+$0x1AB00]  }
0xf7: {  	v14 =	vld [tilespmem:s10+$0x1AB70]  }
0xf8: {  	v7 =	vld [tilespmem:s10+$0x18B50]  }
0xf9: {  	v8 =	vld [tilespmem:s10+$0x18B40]  }
0xfa: {  	v9 =	vld [tilespmem:s10+$0x18B00]  }
0xfb: {  	v13 =	vld [tilespmem:s10+$0x1AB60]  }
0xfc: {  	v4 =	vld [tilespmem:s10+$0x1AB30]  }
0xfd: {  	v15 =	vld.idx.msk [tilespmem:v11+s6+$0x0], $0xffff  }
0xfe: {  	v16 =	vld.idx.msk [tilespmem:v5+s6+$0x0], $0xffff  }
0xff: {  	v5 =	vld.idx.msk [tilespmem:v10+s6+$0x0], $0xffff  }
0x100: {  	v11 =	vld.idx.msk [tilespmem:v7+s6+$0x0], $0xffff  }
.Ltmp8:
0x101: {  	v10 =	vld.idx.msk [tilespmem:v8+s6+$0x0], $0xffff;
	(pc) =	sbr.rel @p1 .LBB2_13-.Ltmp8, $4  }
0x102: {  	v8 =	vld.idx.msk [tilespmem:v9+s6+$0x0], $0xffff  }
0x103: {  	v7 =	vld.idx.msk [tilespmem:v12+s6+$0x0], $0xffff  }
0x104: {  	v13 =	vmul.f32 v13, v16;
	v9 =	vld [tilespmem:s10+$0x1AB10]  }
0x105: {  	v12 =	vmul.f32 v14, v15;
	v6 =	vld.idx.msk [tilespmem:v6+s6+$0x0], $0xffff  }
.LBB2_14:
0x106: {  	v14 =	vld [tilespmem:s10+$0x1AB20];
	v3 =	vmul.f32 v3, v11;
	[tilespmem:s10+$0x1AB60] =	vst v13  }
0x107: {  	v1 =	vmul.f32 v1, v10;
	[tilespmem:s10+$0x1AB70] =	vst v12  }
0x108: {  	v2 =	vmul.f32 v2, v8;
	[tilespmem:s10+$0x1AB50] =	vst v3  }
0x109: {  	[tilespmem:s10+$0x1AB40] =	vst v1;
	v1 =	vmul.f32 v4, v5  }
0x10a: {  	v3 =	vmul.f32 v9, v7;
	[tilespmem:s10+$0x1AB00] =	vst v2  }
0x10b: {  	[tilespmem:s10+$0x1AB30] =	vst v1;
	v2 =	vmul.f32 v14, v6  }
0x10c: {  	[tilespmem:s10+$0x1AB10] =	vst v3  }
0x10d: {  	[tilespmem:s10+$0x1AB20] =	vst v2  }
0x10e: {  	[spmem:s5] =	stream.indirect.scatter.add.f32 [tilespmem:s24], [sflag:$0x1], $0x1, s23, s26, $0xb8;
	v63 =	vld [tilespmem:$0x0]  }
0x10f: {  	_ =	swait.ge [sflag:s3], $0x1000  }
0x110: {  	[sflag:s3] =	ssyncset.done $0x0  }
0x111: {  	[sflag:s3] =	ssyncadd.s32 $0xFFFFF000  }
0x112: {  	_ =	swait.ge [sflag:s0], $0x1000  }
0x113: {  	s16 =	stileid.u32;
	[sflag:s0] =	ssyncset.done $0x0  }
0x114: {  	s11 =	sshrl.u32 s8, $0x3;
	s4 =	sadd.s32 $0x1, s4;
	[sflag:s0] =	ssyncadd.s32 $0xFFFFF000  }
0x115: {  	p1 =	sne.s32 s4, s17;
	s10 =	sshll.u32 s16, $0x6;
	[bflag:$0x0] =	sbarrier.arrive $0xFFFF  }
.Ltmp9:
0x116: {  	s10 =	sor.u32 $0x1C05, s10;
	s12 =	rddreg [dreg:$0x9];
	(pc) =	sbr.rel @p1 .LBB2_1-.Ltmp9, $4  }
0x117: {  	[hbm:s12], [sflag:s10] =	dma.local [spmem:s11], $0x320  }
0x118: {  	_ =	swait.ge [sflag:s19], $0x320  }
0x119: {  	[sflag:s19] =	ssyncset.done $0x0  }
0x11a: {  	[sflag:s19] =	ssyncadd.s32 $0xFFFFFCE0  }
0x11b: {  	_ =	sfence.sel $0x180000  }
0x11c: {  	[bflag:$0x0] =	sbarrier.arrive $0xFFFF  }
0x11d: {  	_ =	strace $0x90000047  }
0x11e: {  	s0 =	stileid.u32;
	[bflag:$0x2] =	sbarrier.arrive $0xFFFF  }
0x11f: {  	p0 =	sne.s32 s0, $0x0;
	s0 =	rddreg [dreg:$0x5]  }
0x120: {  	s0 =	sadd.s32 @!p0 $0x100000, s0  }
0x121: {  	[sflag:s0] =	ssyncadd.tile.s32 @!p0 $0x1;
	_ =	shalt  }
.Lfunc_end2:
_tile_overlayer_lowered:
.L_overlay_start_2:
0x122: {  	(tag) =	ssettag $0x2  }
0x123: {  	s0 =	rddreg [dreg:$0x0];
	s2 =	stileid.u32  }
0x124: {  	s1 =	rddreg [dreg:$0x1];
	p0 =	sne.s32 s2, $0x0  }
0x125: {  	s3 =	rddreg [dreg:$0x2];
	[bflag:$0x3] =	sbarrier.arrive $0xFFFF;
	s2 =	simm.s32 @!p0 $0x1C05  }
0x126: {  	[timem:s3], [sflag:s2] =	dma.local @!p0 [hbm:s0], s1  }
0x127: {  	s0 =	simm.s32 @!p0 $0x5  }
0x128: {  	_ =	swait.ge @!p0 [sflag:s0], s1  }
0x129: {  	s1 =	ssub.s32 @!p0 $0x0, s1;
	[sflag:s0] =	ssyncset.done @!p0 $0x0  }
0x12a: {  	[sflag:s0] =	ssyncadd.s32 @!p0 s1  }
0x12b: {  	[bflag:$0x3] =	sbarrier.arrive $0xFFFF  }
0x12c: {  	_ =	shalt  }

</sc_bundles>
